<compile_context>
chip_gen: v7x
topology: tpu7x:2x2x1
jax: 0.10.2.dev20260603
libtpu: 0.0.44.dev20260713+nightly
codegen_flags: <defaults>
</compile_context>

<pallas_src>
import functools

import jax
import jax.numpy as jnp
import numpy as np
from jax import lax
from jax.experimental import pallas as pl
from jax.experimental.pallas import tpu as pltpu

_BS = 5
_B, _C, _H, _W = 32, 192, 56, 56
_HM, _WM = _H - (_BS - 1), _W - (_BS - 1)
_IMGS = _B * _C
_PER_IMG = _HM * _WM
_OUT_ELEMS = _IMGS * _H * _W

_K0 = 0
_K1 = 42
_K2 = _K0 ^ _K1 ^ 0x1BD11BDA
_KS = (_K0, _K1, _K2)
_ROT = ((13, 15, 26, 6), (17, 29, 16, 24))

_GA = 64
_PK = 2
_ICA = 2 * _PK
_NSTEPS = _IMGS // _GA
_GB = 64
_ICB = 4


def _threefry_bits(idx):
    x0 = jnp.full_like(idx, np.uint32(_K0))
    x1 = idx + np.uint32(_K1)
    for g in range(5):
        for r in _ROT[g & 1]:
            x0 = x0 + x1
            x1 = (x1 << r) | (x1 >> (32 - r))
            x1 = x1 ^ x0
        x0 = x0 + np.uint32(_KS[(g + 1) % 3])
        x1 = x1 + np.uint32((_KS[(g + 2) % 3] + g + 1) & 0xFFFFFFFF)
    return x0 ^ x1


def _shift_down(t, k):
    n = t.shape[0]
    z = jnp.zeros((n, k, t.shape[2]), t.dtype)
    return jnp.concatenate([z, t[:, : t.shape[1] - k, :]], axis=1)


def _mask_body(gamma_ref, pm_ref, cnt_ref):
    pid = pl.program_id(0)
    thresh = gamma_ref[0, 0] * np.float32(8388608.0)

    shp = (_PK, _HM, 2 * _WM)
    it_p = lax.broadcasted_iota(jnp.uint32, shp, 0)
    it_r = lax.broadcasted_iota(jnp.uint32, shp, 1)
    it_l = lax.broadcasted_iota(jnp.uint32, shp, 2)
    lhi = (it_l >= _WM).astype(jnp.uint32)
    img = it_p + lhi * np.uint32(_PK)
    col = it_l - lhi * np.uint32(_WM)
    local = img * np.uint32(_PER_IMG) + it_r * np.uint32(_WM) + col

    ii = lax.broadcasted_iota(jnp.int32, (2 * _WM, 2 * _W), 0)
    jj = lax.broadcasted_iota(jnp.int32, (2 * _WM, 2 * _W), 1)
    ib = (ii >= _WM).astype(jnp.int32)
    jb = (jj >= _W).astype(jnp.int32)
    d = (jj - jb * _W) - (ii - ib * _WM)
    q = ((d >= 0) & (d < _BS) & (ib == jb)).astype(jnp.float32)

    zp = jnp.zeros((_PK, _H - _HM, 2 * _WM), jnp.float32)

    def make_sp(i):
        base = ((pid * _GA + i * _ICA) * _PER_IMG).astype(jnp.uint32)
        bits = _threefry_bits(local + base)
        t = (bits >> 9).astype(jnp.float32)
        seed = (t < thresh).astype(jnp.float32)
        return jnp.concatenate([seed, zp], axis=1)

    def body(i, carry):
        acc, sp = carry
        s2 = sp.reshape(_PK * _H, 2 * _WM)
        t1 = lax.dot_general(
            s2, q, (((1,), (0,)), ((), ())),
            preferred_element_type=jnp.float32,
        ).reshape(_PK, _H, 2 * _W)
        sp_next = make_sp(i + 1)
        th = (t1 > 0.5).astype(jnp.bfloat16)
        m1 = jnp.maximum(th, _shift_down(th, 1))
        m2 = jnp.maximum(m1, _shift_down(m1, 2))
        pmp = jnp.maximum(m2, _shift_down(th, 4))
        pm4 = jnp.concatenate(
            [pmp[:, :, : _W], pmp[:, :, _W :]], axis=0
        )
        pm_ref[pl.ds(i * _ICA, _ICA)] = pm4
        return acc + jnp.sum(pmp.astype(jnp.float32)), sp_next

    acc, _ = lax.fori_loop(
        0,
        _GA // _ICA,
        body,
        (jnp.zeros((1, 1), jnp.float32), make_sp(0)),
    )
    cnt_ref[0] = jnp.broadcast_to(acc, (1, 128)) * np.float32(1.0 / 128.0)


def _apply_body(cnt_ref, x_ref, pm_ref, o_ref):
    count_m = np.float32(_OUT_ELEMS)
    dropped = jnp.sum(cnt_ref[...])
    sc = count_m / (count_m - dropped)

    def body(i, _):
        sl = pl.ds(i * _ICB, _ICB)
        drop = pm_ref[sl] > jnp.bfloat16(0.5)
        o_ref[sl] = jnp.where(drop, jnp.float32(0.0), x_ref[sl] * sc)
        return 0

    lax.fori_loop(0, _GB // _ICB, body, 0)


@functools.partial(jax.jit, static_argnames=())
def kernel(x, gamma):
    gamma2 = jnp.reshape(gamma.astype(jnp.float32), (1, 1))

    pm, cnt = pl.pallas_call(
        _mask_body,
        grid=(_NSTEPS,),
        in_specs=[pl.BlockSpec(memory_space=pltpu.SMEM)],
        out_specs=[
            pl.BlockSpec((_GA, _H, _W), lambda i: (i, 0, 0)),
            pl.BlockSpec((1, 1, 128), lambda i: (i, 0, 0)),
        ],
        out_shape=[
            jax.ShapeDtypeStruct((_IMGS, _H, _W), jnp.bfloat16),
            jax.ShapeDtypeStruct((_NSTEPS, 1, 128), jnp.float32),
        ],
    )(gamma2)

    xf = x.reshape(_IMGS, _H, _W)
    y = pl.pallas_call(
        _apply_body,
        grid=(_IMGS // _GB,),
        in_specs=[
            pl.BlockSpec((_NSTEPS, 1, 128), lambda i: (0, 0, 0)),
            pl.BlockSpec((_GB, _H, _W), lambda i: (i, 0, 0)),
            pl.BlockSpec((_GB, _H, _W), lambda i: (i, 0, 0)),
        ],
        out_specs=pl.BlockSpec((_GB, _H, _W), lambda i: (i, 0, 0)),
        out_shape=jax.ShapeDtypeStruct((_IMGS, _H, _W), jnp.float32),
    )(cnt, xf, pm)
    return y.reshape(_B, _C, _H, _W)

# --- scband reference (transcript-rebuilt; emitter-appended) ---
"""Pipeline reference for scband-drop-block-31791347925029 (READ-ONLY COPY).

The authoritative reference and input builder live on the scoring server;
editing this copy changes nothing except your own understanding.
"""

import jax, jax.numpy as jnp
import numpy as np
from jax import lax

BLOCK_SIZE = 5


def setup_inputs(seed: int = 0) -> dict:
    key = jax.random.key(seed)
    x = jax.random.normal(key, (32, 192, 56, 56), dtype=jnp.float32)
    # gamma is the DropBlock seed probability; a small constant is the realistic regime
    gamma = jnp.asarray(0.02, dtype=jnp.float32)
    return {"x": x, "gamma": gamma}


def reference(x, gamma):
    bs = BLOCK_SIZE
    B, C, H, W = x.shape
    Hm = H - (bs - 1)
    Wm = W - (bs - 1)
    # Bernoulli seed mask over the valid (un-padded) region, as in the torch module
    mkey = jax.random.key(42)
    u = jax.random.uniform(mkey, (B, C, Hm, Wm), dtype=x.dtype)
    mask = (u < gamma).astype(x.dtype)
    # The torch module scatters 1.0 into padded_mask at every (seed + offset) index
    # for offsets in [0, bs) x [0, bs).  Since mask is binary, this scatter-overwrite
    # is exactly a binary dilation of the seed mask with a bs x bs window, producing
    # an output of spatial size (Hm + bs - 1, Wm + bs - 1) = (H, W).
    padded_mask = lax.reduce_window(
        mask,
        jnp.zeros((), mask.dtype),
        lax.max,
        window_dimensions=(1, 1, bs, bs),
        window_strides=(1, 1, 1, 1),
        padding=((0, 0), (0, 0), (bs - 1, bs - 1), (bs - 1, bs - 1)),
    )
    block_mask = 1.0 - padded_mask
    countM = float(B * C * H * W)
    count_ones = jnp.sum(block_mask)
    return block_mask * x * (countM / count_ones)

if __name__ == "__main__":
    import jax
    _d = setup_inputs()
    print(jax.jit(kernel)(*tuple(_d.values())))

</pallas_src>

<mosaic_0001>
module attributes {stable_mosaic.version = 14 : i64} {
  func.func @_apply_body(%arg0: i32, %arg1: memref<96x1x128xf32, #tpu.memory_space<vmem>>, %arg2: memref<64x56x56xf32, #tpu.memory_space<vmem>>, %arg3: memref<64x56x56xbf16, #tpu.memory_space<vmem>>, %arg4: memref<64x56x56xf32, #tpu.memory_space<vmem>>) attributes {dimension_semantics = [#tpu.dimension_semantics<arbitrary>], iteration_bounds = array<i64: 96>, scalar_prefetch = 0 : i64, scratch_operands = 0 : i64, tpu.core_type = #tpu.core_type<tc>, window_params = [{pipeline_mode = #tpu.pipeline_mode<synchronous>, transform_indices = @transform_0, window_bounds = array<i64: 96, 1, 128>}, {transform_indices = @transform_1, window_bounds = array<i64: 64, 56, 56>}, {transform_indices = @transform_2, window_bounds = array<i64: 64, 56, 56>}, {transform_indices = @transform_3, window_bounds = array<i64: 64, 56, 56>}]} {
    %get3A = arith.constant 0 : index
    %get3A_0 = arith.constant 0 : index
    %get3A_1 = arith.constant 0 : index
    %get3A_2 = vector.load %arg1[%get3A, %get3A_0, %get3A_1] : memref<96x1x128xf32, #tpu.memory_space<vmem>>, vector<96x1x128xf32>
    %reduce_sum3A = vector.shape_cast %get3A_2 : vector<96x1x128xf32> to vector<1x96x1x128xf32>
    %reduce_sum3A_3 = arith.constant dense<0.000000e+00> : vector<1xf32>
    %reduce_sum3A_4 = vector.multi_reduction <add>, %reduce_sum3A, %reduce_sum3A_3 [1, 2, 3] : vector<1x96x1x128xf32> to vector<1xf32>
    %reduce_sum3A_5 = vector.shape_cast %reduce_sum3A_4 : vector<1xf32> to vector<1x1x1x1xf32>
    %reduce_sum3A_6 = vector.extract %reduce_sum3A_5[0, 0, 0, 0] : f32 from vector<1x1x1x1xf32>
    %sub3A = arith.constant 0x4B930000 : f32
    %sub3A_7 = arith.subf %sub3A, %reduce_sum3A_6 : f32
    %div3A = arith.constant 0x4B930000 : f32
    %div3A_8 = arith.divf %div3A, %sub3A_7 : f32
    %scan3A = arith.constant 0 : i32
    %scan3A_9 = arith.constant 16 : i32
    %scan3A_10 = arith.addi %scan3A, %scan3A_9 : i32
    %scan3A_11 = arith.constant 1 : i32
    scf.for %scan3A_13 = %scan3A to %scan3A_10 step %scan3A_11  : i32 {
      %mul3A = arith.constant 4 : i32
      %mul3A_14 = arith.muli %scan3A_13, %mul3A : i32
      %get3A_15 = arith.index_cast %mul3A_14 : i32 to index
      %get3A_16 = arith.constant 0 : index
      %get3A_17 = arith.constant 0 : index
      %get3A_18 = vector.load %arg3[%get3A_15, %get3A_16, %get3A_17] : memref<64x56x56xbf16, #tpu.memory_space<vmem>>, vector<4x56x56xbf16>
      %gt3A = arith.constant 5.000000e-01 : bf16
      %gt3A_19 = vector.broadcast %gt3A : bf16 to vector<4x56x56xbf16>
      %gt3A_20 = arith.cmpf ogt, %get3A_18, %gt3A_19 : vector<4x56x56xbf16>
      %get3A_21 = arith.index_cast %mul3A_14 : i32 to index
      %get3A_22 = arith.constant 0 : index
      %get3A_23 = arith.constant 0 : index
      %get3A_24 = vector.load %arg2[%get3A_21, %get3A_22, %get3A_23] : memref<64x56x56xf32, #tpu.memory_space<vmem>>, vector<4x56x56xf32>
      %mul3A_25 = vector.broadcast %div3A_8 : f32 to vector<4x56x56xf32>
      %mul3A_26 = arith.mulf %get3A_24, %mul3A_25 : vector<4x56x56xf32>
      %jit3A = arith.constant 0.000000e+00 : f32
      %broadcast_in_dim3A = vector.broadcast %jit3A : f32 to vector<4x56x56xf32>
      %select_n3A = arith.select %gt3A_20, %broadcast_in_dim3A, %mul3A_26 : vector<4x56x56xi1>, vector<4x56x56xf32>
      %swap3A = arith.index_cast %mul3A_14 : i32 to index
      %swap3A_27 = arith.constant 0 : index
      %swap3A_28 = arith.constant 0 : index
      %swap3A_29 = vector.load %arg4[%swap3A, %swap3A_27, %swap3A_28] : memref<64x56x56xf32, #tpu.memory_space<vmem>>, vector<4x56x56xf32>
      tpu.vector_store %arg4[%swap3A, %swap3A_27, %swap3A_28], %select_n3A {strides = array<i32>} : memref<64x56x56xf32, #tpu.memory_space<vmem>>, vector<4x56x56xf32>,
    }
    %scan3A_12 = arith.constant 16 : i32
    return
  }
  func.func @transform_0(%arg0: i32) -> (i32, i32, i32) {
    %c0_i32 = arith.constant 0 : i32
    %c0_i32_0 = arith.constant 0 : i32
    %c0_i32_1 = arith.constant 0 : i32
    %c0_i32_2 = arith.constant 0 : i32
    return %c0_i32, %c0_i32_0, %c0_i32_1 : i32, i32, i32
  }
  func.func @transform_1(%arg0: i32) -> (i32, i32, i32) {
    %c0_i32 = arith.constant 0 : i32
    %c0_i32_0 = arith.constant 0 : i32
    %c0_i32_1 = arith.constant 0 : i32
    return %arg0, %c0_i32, %c0_i32_0 : i32, i32, i32
  }
  func.func @transform_2(%arg0: i32) -> (i32, i32, i32) {
    %c0_i32 = arith.constant 0 : i32
    %c0_i32_0 = arith.constant 0 : i32
    %c0_i32_1 = arith.constant 0 : i32
    return %arg0, %c0_i32, %c0_i32_0 : i32, i32, i32
  }
  func.func @transform_3(%arg0: i32) -> (i32, i32, i32) {
    %c0_i32 = arith.constant 0 : i32
    %c0_i32_0 = arith.constant 0 : i32
    %c0_i32_1 = arith.constant 0 : i32
    return %arg0, %c0_i32, %c0_i32_0 : i32, i32, i32
  }
}

module attributes {stable_mosaic.version = 14 : i64} {
  func.func @_mask_body(%arg0: i32, %arg1: memref<1x1xf32, #tpu.memory_space<smem>>, %arg2: memref<64x56x56xbf16, #tpu.memory_space<vmem>>, %arg3: memref<1x1x128xf32, #tpu.memory_space<vmem>>) attributes {dimension_semantics = [#tpu.dimension_semantics<arbitrary>], iteration_bounds = array<i64: 96>, scalar_prefetch = 0 : i64, scratch_operands = 0 : i64, tpu.core_type = #tpu.core_type<tc>, window_params = [{transform_indices = @transform_0, window_bounds = array<i64: 1, 1>}, {transform_indices = @transform_1, window_bounds = array<i64: 64, 56, 56>}, {transform_indices = @transform_2, window_bounds = array<i64: 1, 1, 128>}]} {
    %get3A = arith.constant 0 : index
    %get3A_0 = arith.constant 0 : index
    %get3A_1 = memref.load %arg1[%get3A, %get3A_0] : memref<1x1xf32, #tpu.memory_space<smem>>
    %mul3A = arith.constant 0x4B000000 : f32
    %mul3A_2 = arith.mulf %get3A_1, %mul3A : f32
    %iota3A = tpu.iota {dimensions = array<i32: 0>} : vector<2x52x104xi32>
    %iota3A_3 = tpu.iota {dimensions = array<i32: 1>} : vector<2x52x104xi32>
    %iota3A_4 = tpu.iota {dimensions = array<i32: 2>} : vector<2x52x104xi32>
    %ge3A = arith.constant 52 : i32
    %ge3A_5 = vector.broadcast %ge3A : i32 to vector<2x52x104xi32>
    %ge3A_6 = arith.cmpi uge, %iota3A_4, %ge3A_5 : vector<2x52x104xi32>
    %convert_element_type3A = arith.extui %ge3A_6 : vector<2x52x104xi1> to vector<2x52x104xi32>
    %mul3A_7 = arith.constant 2 : i32
    %mul3A_8 = vector.broadcast %mul3A_7 : i32 to vector<2x52x104xi32>
    %mul3A_9 = arith.muli %convert_element_type3A, %mul3A_8 : vector<2x52x104xi32>
    %add3A = arith.addi %iota3A, %mul3A_9 : vector<2x52x104xi32>
    %mul3A_10 = arith.constant 52 : i32
    %mul3A_11 = vector.broadcast %mul3A_10 : i32 to vector<2x52x104xi32>
    %mul3A_12 = arith.muli %convert_element_type3A, %mul3A_11 : vector<2x52x104xi32>
    %sub3A = arith.subi %iota3A_4, %mul3A_12 : vector<2x52x104xi32>
    %mul3A_13 = arith.constant 2704 : i32
    %mul3A_14 = vector.broadcast %mul3A_13 : i32 to vector<2x52x104xi32>
    %mul3A_15 = arith.muli %add3A, %mul3A_14 : vector<2x52x104xi32>
    %mul3A_16 = arith.constant 52 : i32
    %mul3A_17 = vector.broadcast %mul3A_16 : i32 to vector<2x52x104xi32>
    %mul3A_18 = arith.muli %iota3A_3, %mul3A_17 : vector<2x52x104xi32>
    %add3A_19 = arith.addi %mul3A_15, %mul3A_18 : vector<2x52x104xi32>
    %add3A_20 = arith.addi %add3A_19, %sub3A : vector<2x52x104xi32>
    %iota3A_21 = tpu.iota {dimensions = array<i32: 0>} : vector<104x112xi32>
    %iota3A_22 = tpu.iota {dimensions = array<i32: 1>} : vector<104x112xi32>
    %ge3A_23 = arith.constant 52 : i32
    %ge3A_24 = vector.broadcast %ge3A_23 : i32 to vector<104x112xi32>
    %ge3A_25 = arith.cmpi sge, %iota3A_21, %ge3A_24 : vector<104x112xi32>
    %convert_element_type3A_26 = arith.extui %ge3A_25 : vector<104x112xi1> to vector<104x112xi32>
    %ge3A_27 = arith.constant 56 : i32
    %ge3A_28 = vector.broadcast %ge3A_27 : i32 to vector<104x112xi32>
    %ge3A_29 = arith.cmpi sge, %iota3A_22, %ge3A_28 : vector<104x112xi32>
    %convert_element_type3A_30 = arith.extui %ge3A_29 : vector<104x112xi1> to vector<104x112xi32>
    %mul3A_31 = arith.constant 56 : i32
    %mul3A_32 = vector.broadcast %mul3A_31 : i32 to vector<104x112xi32>
    %mul3A_33 = arith.muli %convert_element_type3A_30, %mul3A_32 : vector<104x112xi32>
    %sub3A_34 = arith.subi %iota3A_22, %mul3A_33 : vector<104x112xi32>
    %mul3A_35 = arith.constant 52 : i32
    %mul3A_36 = vector.broadcast %mul3A_35 : i32 to vector<104x112xi32>
    %mul3A_37 = arith.muli %convert_element_type3A_26, %mul3A_36 : vector<104x112xi32>
    %sub3A_38 = arith.subi %iota3A_21, %mul3A_37 : vector<104x112xi32>
    %sub3A_39 = arith.subi %sub3A_34, %sub3A_38 : vector<104x112xi32>
    %ge3A_40 = arith.constant 0 : i32
    %ge3A_41 = vector.broadcast %ge3A_40 : i32 to vector<104x112xi32>
    %ge3A_42 = arith.cmpi sge, %sub3A_39, %ge3A_41 : vector<104x112xi32>
    %lt3A = arith.constant 5 : i32
    %lt3A_43 = vector.broadcast %lt3A : i32 to vector<104x112xi32>
    %lt3A_44 = arith.cmpi slt, %sub3A_39, %lt3A_43 : vector<104x112xi32>
    %and3A = arith.andi %ge3A_42, %lt3A_44 : vector<104x112xi1>
    %eq3A = arith.cmpi eq, %convert_element_type3A_26, %convert_element_type3A_30 : vector<104x112xi32>
    %and3A_45 = arith.andi %and3A, %eq3A : vector<104x112xi1>
    %convert_element_type3A_46 = arith.extui %and3A_45 : vector<104x112xi1> to vector<104x112xi32>
    %convert_element_type3A_47 = arith.sitofp %convert_element_type3A_46 : vector<104x112xi32> to vector<104x112xf32>
    %broadcast_in_dim3A = arith.constant 0.000000e+00 : f32
    %broadcast_in_dim3A_48 = vector.broadcast %broadcast_in_dim3A : f32 to vector<2x4x104xf32>
    %broadcast_in_dim3A_49 = arith.constant 0.000000e+00 : f32
    %broadcast_in_dim3A_50 = vector.broadcast %broadcast_in_dim3A_49 : f32 to vector<1x1xf32>
    %mul3A_51 = arith.constant 64 : i32
    %mul3A_52 = arith.muli %arg0, %mul3A_51 : i32
    %add3A_53 = arith.constant 0 : i32
    %add3A_54 = arith.addi %mul3A_52, %add3A_53 : i32
    %mul3A_55 = arith.constant 2704 : i32
    %mul3A_56 = arith.muli %add3A_54, %mul3A_55 : i32
    %add3A_57 = vector.broadcast %mul3A_56 : i32 to vector<2x52x104xi32>
    %add3A_58 = arith.addi %add3A_20, %add3A_57 : vector<2x52x104xi32>
    %broadcast_in_dim3A_59 = arith.constant 0 : i32
    %broadcast_in_dim3A_60 = vector.broadcast %broadcast_in_dim3A_59 : i32 to vector<2x52x104xi32>
    %add3A_61 = arith.constant 42 : i32
    %add3A_62 = vector.broadcast %add3A_61 : i32 to vector<2x52x104xi32>
    %add3A_63 = arith.addi %add3A_58, %add3A_62 : vector<2x52x104xi32>
    %add3A_64 = arith.addi %broadcast_in_dim3A_60, %add3A_63 : vector<2x52x104xi32>
    %shift_left3A = arith.constant 13 : i32
    %shift_left3A_65 = vector.broadcast %shift_left3A : i32 to vector<2x52x104xi32>
    %shift_left3A_66 = arith.shli %add3A_63, %shift_left3A_65 : vector<2x52x104xi32>
    %shift_right_logical3A = arith.constant 19 : i32
    %shift_right_logical3A_67 = vector.broadcast %shift_right_logical3A : i32 to vector<2x52x104xi32>
    %shift_right_logical3A_68 = arith.shrui %add3A_63, %shift_right_logical3A_67 : vector<2x52x104xi32>
    %or3A = arith.ori %shift_left3A_66, %shift_right_logical3A_68 : vector<2x52x104xi32>
    %xor3A = arith.xori %or3A, %add3A_64 : vector<2x52x104xi32>
    %add3A_69 = arith.addi %add3A_64, %xor3A : vector<2x52x104xi32>
    %shift_left3A_70 = arith.constant 15 : i32
    %shift_left3A_71 = vector.broadcast %shift_left3A_70 : i32 to vector<2x52x104xi32>
    %shift_left3A_72 = arith.shli %xor3A, %shift_left3A_71 : vector<2x52x104xi32>
    %shift_right_logical3A_73 = arith.constant 17 : i32
    %shift_right_logical3A_74 = vector.broadcast %shift_right_logical3A_73 : i32 to vector<2x52x104xi32>
    %shift_right_logical3A_75 = arith.shrui %xor3A, %shift_right_logical3A_74 : vector<2x52x104xi32>
    %or3A_76 = arith.ori %shift_left3A_72, %shift_right_logical3A_75 : vector<2x52x104xi32>
    %xor3A_77 = arith.xori %or3A_76, %add3A_69 : vector<2x52x104xi32>
    %add3A_78 = arith.addi %add3A_69, %xor3A_77 : vector<2x52x104xi32>
    %shift_left3A_79 = arith.constant 26 : i32
    %shift_left3A_80 = vector.broadcast %shift_left3A_79 : i32 to vector<2x52x104xi32>
    %shift_left3A_81 = arith.shli %xor3A_77, %shift_left3A_80 : vector<2x52x104xi32>
    %shift_right_logical3A_82 = arith.constant 6 : i32
    %shift_right_logical3A_83 = vector.broadcast %shift_right_logical3A_82 : i32 to vector<2x52x104xi32>
    %shift_right_logical3A_84 = arith.shrui %xor3A_77, %shift_right_logical3A_83 : vector<2x52x104xi32>
    %or3A_85 = arith.ori %shift_left3A_81, %shift_right_logical3A_84 : vector<2x52x104xi32>
    %xor3A_86 = arith.xori %or3A_85, %add3A_78 : vector<2x52x104xi32>
    %add3A_87 = arith.addi %add3A_78, %xor3A_86 : vector<2x52x104xi32>
    %shift_left3A_88 = arith.constant 6 : i32
    %shift_left3A_89 = vector.broadcast %shift_left3A_88 : i32 to vector<2x52x104xi32>
    %shift_left3A_90 = arith.shli %xor3A_86, %shift_left3A_89 : vector<2x52x104xi32>
    %shift_right_logical3A_91 = arith.constant 26 : i32
    %shift_right_logical3A_92 = vector.broadcast %shift_right_logical3A_91 : i32 to vector<2x52x104xi32>
    %shift_right_logical3A_93 = arith.shrui %xor3A_86, %shift_right_logical3A_92 : vector<2x52x104xi32>
    %or3A_94 = arith.ori %shift_left3A_90, %shift_right_logical3A_93 : vector<2x52x104xi32>
    %xor3A_95 = arith.xori %or3A_94, %add3A_87 : vector<2x52x104xi32>
    %add3A_96 = arith.constant 42 : i32
    %add3A_97 = vector.broadcast %add3A_96 : i32 to vector<2x52x104xi32>
    %add3A_98 = arith.addi %add3A_87, %add3A_97 : vector<2x52x104xi32>
    %add3A_99 = arith.constant 466689009 : i32
    %add3A_100 = vector.broadcast %add3A_99 : i32 to vector<2x52x104xi32>
    %add3A_101 = arith.addi %xor3A_95, %add3A_100 : vector<2x52x104xi32>
    %add3A_102 = arith.addi %add3A_98, %add3A_101 : vector<2x52x104xi32>
    %shift_left3A_103 = arith.constant 17 : i32
    %shift_left3A_104 = vector.broadcast %shift_left3A_103 : i32 to vector<2x52x104xi32>
    %shift_left3A_105 = arith.shli %add3A_101, %shift_left3A_104 : vector<2x52x104xi32>
    %shift_right_logical3A_106 = arith.constant 15 : i32
    %shift_right_logical3A_107 = vector.broadcast %shift_right_logical3A_106 : i32 to vector<2x52x104xi32>
    %shift_right_logical3A_108 = arith.shrui %add3A_101, %shift_right_logical3A_107 : vector<2x52x104xi32>
    %or3A_109 = arith.ori %shift_left3A_105, %shift_right_logical3A_108 : vector<2x52x104xi32>
    %xor3A_110 = arith.xori %or3A_109, %add3A_102 : vector<2x52x104xi32>
    %add3A_111 = arith.addi %add3A_102, %xor3A_110 : vector<2x52x104xi32>
    %shift_left3A_112 = arith.constant 29 : i32
    %shift_left3A_113 = vector.broadcast %shift_left3A_112 : i32 to vector<2x52x104xi32>
    %shift_left3A_114 = arith.shli %xor3A_110, %shift_left3A_113 : vector<2x52x104xi32>
    %shift_right_logical3A_115 = arith.constant 3 : i32
    %shift_right_logical3A_116 = vector.broadcast %shift_right_logical3A_115 : i32 to vector<2x52x104xi32>
    %shift_right_logical3A_117 = arith.shrui %xor3A_110, %shift_right_logical3A_116 : vector<2x52x104xi32>
    %or3A_118 = arith.ori %shift_left3A_114, %shift_right_logical3A_117 : vector<2x52x104xi32>
    %xor3A_119 = arith.xori %or3A_118, %add3A_111 : vector<2x52x104xi32>
    %add3A_120 = arith.addi %add3A_111, %xor3A_119 : vector<2x52x104xi32>
    %shift_left3A_121 = arith.constant 16 : i32
    %shift_left3A_122 = vector.broadcast %shift_left3A_121 : i32 to vector<2x52x104xi32>
    %shift_left3A_123 = arith.shli %xor3A_119, %shift_left3A_122 : vector<2x52x104xi32>
    %shift_right_logical3A_124 = arith.constant 16 : i32
    %shift_right_logical3A_125 = vector.broadcast %shift_right_logical3A_124 : i32 to vector<2x52x104xi32>
    %shift_right_logical3A_126 = arith.shrui %xor3A_119, %shift_right_logical3A_125 : vector<2x52x104xi32>
    %or3A_127 = arith.ori %shift_left3A_123, %shift_right_logical3A_126 : vector<2x52x104xi32>
    %xor3A_128 = arith.xori %or3A_127, %add3A_120 : vector<2x52x104xi32>
    %add3A_129 = arith.addi %add3A_120, %xor3A_128 : vector<2x52x104xi32>
    %shift_left3A_130 = arith.constant 24 : i32
    %shift_left3A_131 = vector.broadcast %shift_left3A_130 : i32 to vector<2x52x104xi32>
    %shift_left3A_132 = arith.shli %xor3A_128, %shift_left3A_131 : vector<2x52x104xi32>
    %shift_right_logical3A_133 = arith.constant 8 : i32
    %shift_right_logical3A_134 = vector.broadcast %shift_right_logical3A_133 : i32 to vector<2x52x104xi32>
    %shift_right_logical3A_135 = arith.shrui %xor3A_128, %shift_right_logical3A_134 : vector<2x52x104xi32>
    %or3A_136 = arith.ori %shift_left3A_132, %shift_right_logical3A_135 : vector<2x52x104xi32>
    %xor3A_137 = arith.xori %or3A_136, %add3A_129 : vector<2x52x104xi32>
    %add3A_138 = arith.constant 466689008 : i32
    %add3A_139 = vector.broadcast %add3A_138 : i32 to vector<2x52x104xi32>
    %add3A_140 = arith.addi %add3A_129, %add3A_139 : vector<2x52x104xi32>
    %add3A_141 = arith.constant 2 : i32
    %add3A_142 = vector.broadcast %add3A_141 : i32 to vector<2x52x104xi32>
    %add3A_143 = arith.addi %xor3A_137, %add3A_142 : vector<2x52x104xi32>
    %add3A_144 = arith.addi %add3A_140, %add3A_143 : vector<2x52x104xi32>
    %shift_left3A_145 = arith.constant 13 : i32
    %shift_left3A_146 = vector.broadcast %shift_left3A_145 : i32 to vector<2x52x104xi32>
    %shift_left3A_147 = arith.shli %add3A_143, %shift_left3A_146 : vector<2x52x104xi32>
    %shift_right_logical3A_148 = arith.constant 19 : i32
    %shift_right_logical3A_149 = vector.broadcast %shift_right_logical3A_148 : i32 to vector<2x52x104xi32>
    %shift_right_logical3A_150 = arith.shrui %add3A_143, %shift_right_logical3A_149 : vector<2x52x104xi32>
    %or3A_151 = arith.ori %shift_left3A_147, %shift_right_logical3A_150 : vector<2x52x104xi32>
    %xor3A_152 = arith.xori %or3A_151, %add3A_144 : vector<2x52x104xi32>
    %add3A_153 = arith.addi %add3A_144, %xor3A_152 : vector<2x52x104xi32>
    %shift_left3A_154 = arith.constant 15 : i32
    %shift_left3A_155 = vector.broadcast %shift_left3A_154 : i32 to vector<2x52x104xi32>
    %shift_left3A_156 = arith.shli %xor3A_152, %shift_left3A_155 : vector<2x52x104xi32>
    %shift_right_logical3A_157 = arith.constant 17 : i32
    %shift_right_logical3A_158 = vector.broadcast %shift_right_logical3A_157 : i32 to vector<2x52x104xi32>
    %shift_right_logical3A_159 = arith.shrui %xor3A_152, %shift_right_logical3A_158 : vector<2x52x104xi32>
    %or3A_160 = arith.ori %shift_left3A_156, %shift_right_logical3A_159 : vector<2x52x104xi32>
    %xor3A_161 = arith.xori %or3A_160, %add3A_153 : vector<2x52x104xi32>
    %add3A_162 = arith.addi %add3A_153, %xor3A_161 : vector<2x52x104xi32>
    %shift_left3A_163 = arith.constant 26 : i32
    %shift_left3A_164 = vector.broadcast %shift_left3A_163 : i32 to vector<2x52x104xi32>
    %shift_left3A_165 = arith.shli %xor3A_161, %shift_left3A_164 : vector<2x52x104xi32>
    %shift_right_logical3A_166 = arith.constant 6 : i32
    %shift_right_logical3A_167 = vector.broadcast %shift_right_logical3A_166 : i32 to vector<2x52x104xi32>
    %shift_right_logical3A_168 = arith.shrui %xor3A_161, %shift_right_logical3A_167 : vector<2x52x104xi32>
    %or3A_169 = arith.ori %shift_left3A_165, %shift_right_logical3A_168 : vector<2x52x104xi32>
    %xor3A_170 = arith.xori %or3A_169, %add3A_162 : vector<2x52x104xi32>
    %add3A_171 = arith.addi %add3A_162, %xor3A_170 : vector<2x52x104xi32>
    %shift_left3A_172 = arith.constant 6 : i32
    %shift_left3A_173 = vector.broadcast %shift_left3A_172 : i32 to vector<2x52x104xi32>
    %shift_left3A_174 = arith.shli %xor3A_170, %shift_left3A_173 : vector<2x52x104xi32>
    %shift_right_logical3A_175 = arith.constant 26 : i32
    %shift_right_logical3A_176 = vector.broadcast %shift_right_logical3A_175 : i32 to vector<2x52x104xi32>
    %shift_right_logical3A_177 = arith.shrui %xor3A_170, %shift_right_logical3A_176 : vector<2x52x104xi32>
    %or3A_178 = arith.ori %shift_left3A_174, %shift_right_logical3A_177 : vector<2x52x104xi32>
    %xor3A_179 = arith.xori %or3A_178, %add3A_171 : vector<2x52x104xi32>
    %add3A_180 = arith.constant 0 : i32
    %add3A_181 = vector.broadcast %add3A_180 : i32 to vector<2x52x104xi32>
    %add3A_182 = arith.addi %add3A_171, %add3A_181 : vector<2x52x104xi32>
    %add3A_183 = arith.constant 45 : i32
    %add3A_184 = vector.broadcast %add3A_183 : i32 to vector<2x52x104xi32>
    %add3A_185 = arith.addi %xor3A_179, %add3A_184 : vector<2x52x104xi32>
    %add3A_186 = arith.addi %add3A_182, %add3A_185 : vector<2x52x104xi32>
    %shift_left3A_187 = arith.constant 17 : i32
    %shift_left3A_188 = vector.broadcast %shift_left3A_187 : i32 to vector<2x52x104xi32>
    %shift_left3A_189 = arith.shli %add3A_185, %shift_left3A_188 : vector<2x52x104xi32>
    %shift_right_logical3A_190 = arith.constant 15 : i32
    %shift_right_logical3A_191 = vector.broadcast %shift_right_logical3A_190 : i32 to vector<2x52x104xi32>
    %shift_right_logical3A_192 = arith.shrui %add3A_185, %shift_right_logical3A_191 : vector<2x52x104xi32>
    %or3A_193 = arith.ori %shift_left3A_189, %shift_right_logical3A_192 : vector<2x52x104xi32>
    %xor3A_194 = arith.xori %or3A_193, %add3A_186 : vector<2x52x104xi32>
    %add3A_195 = arith.addi %add3A_186, %xor3A_194 : vector<2x52x104xi32>
    %shift_left3A_196 = arith.constant 29 : i32
    %shift_left3A_197 = vector.broadcast %shift_left3A_196 : i32 to vector<2x52x104xi32>
    %shift_left3A_198 = arith.shli %xor3A_194, %shift_left3A_197 : vector<2x52x104xi32>
    %shift_right_logical3A_199 = arith.constant 3 : i32
    %shift_right_logical3A_200 = vector.broadcast %shift_right_logical3A_199 : i32 to vector<2x52x104xi32>
    %shift_right_logical3A_201 = arith.shrui %xor3A_194, %shift_right_logical3A_200 : vector<2x52x104xi32>
    %or3A_202 = arith.ori %shift_left3A_198, %shift_right_logical3A_201 : vector<2x52x104xi32>
    %xor3A_203 = arith.xori %or3A_202, %add3A_195 : vector<2x52x104xi32>
    %add3A_204 = arith.addi %add3A_195, %xor3A_203 : vector<2x52x104xi32>
    %shift_left3A_205 = arith.constant 16 : i32
    %shift_left3A_206 = vector.broadcast %shift_left3A_205 : i32 to vector<2x52x104xi32>
    %shift_left3A_207 = arith.shli %xor3A_203, %shift_left3A_206 : vector<2x52x104xi32>
    %shift_right_logical3A_208 = arith.constant 16 : i32
    %shift_right_logical3A_209 = vector.broadcast %shift_right_logical3A_208 : i32 to vector<2x52x104xi32>
    %shift_right_logical3A_210 = arith.shrui %xor3A_203, %shift_right_logical3A_209 : vector<2x52x104xi32>
    %or3A_211 = arith.ori %shift_left3A_207, %shift_right_logical3A_210 : vector<2x52x104xi32>
    %xor3A_212 = arith.xori %or3A_211, %add3A_204 : vector<2x52x104xi32>
    %add3A_213 = arith.addi %add3A_204, %xor3A_212 : vector<2x52x104xi32>
    %shift_left3A_214 = arith.constant 24 : i32
    %shift_left3A_215 = vector.broadcast %shift_left3A_214 : i32 to vector<2x52x104xi32>
    %shift_left3A_216 = arith.shli %xor3A_212, %shift_left3A_215 : vector<2x52x104xi32>
    %shift_right_logical3A_217 = arith.constant 8 : i32
    %shift_right_logical3A_218 = vector.broadcast %shift_right_logical3A_217 : i32 to vector<2x52x104xi32>
    %shift_right_logical3A_219 = arith.shrui %xor3A_212, %shift_right_logical3A_218 : vector<2x52x104xi32>
    %or3A_220 = arith.ori %shift_left3A_216, %shift_right_logical3A_219 : vector<2x52x104xi32>
    %xor3A_221 = arith.xori %or3A_220, %add3A_213 : vector<2x52x104xi32>
    %add3A_222 = arith.constant 42 : i32
    %add3A_223 = vector.broadcast %add3A_222 : i32 to vector<2x52x104xi32>
    %add3A_224 = arith.addi %add3A_213, %add3A_223 : vector<2x52x104xi32>
    %add3A_225 = arith.constant 466689012 : i32
    %add3A_226 = vector.broadcast %add3A_225 : i32 to vector<2x52x104xi32>
    %add3A_227 = arith.addi %xor3A_221, %add3A_226 : vector<2x52x104xi32>
    %add3A_228 = arith.addi %add3A_224, %add3A_227 : vector<2x52x104xi32>
    %shift_left3A_229 = arith.constant 13 : i32
    %shift_left3A_230 = vector.broadcast %shift_left3A_229 : i32 to vector<2x52x104xi32>
    %shift_left3A_231 = arith.shli %add3A_227, %shift_left3A_230 : vector<2x52x104xi32>
    %shift_right_logical3A_232 = arith.constant 19 : i32
    %shift_right_logical3A_233 = vector.broadcast %shift_right_logical3A_232 : i32 to vector<2x52x104xi32>
    %shift_right_logical3A_234 = arith.shrui %add3A_227, %shift_right_logical3A_233 : vector<2x52x104xi32>
    %or3A_235 = arith.ori %shift_left3A_231, %shift_right_logical3A_234 : vector<2x52x104xi32>
    %xor3A_236 = arith.xori %or3A_235, %add3A_228 : vector<2x52x104xi32>
    %add3A_237 = arith.addi %add3A_228, %xor3A_236 : vector<2x52x104xi32>
    %shift_left3A_238 = arith.constant 15 : i32
    %shift_left3A_239 = vector.broadcast %shift_left3A_238 : i32 to vector<2x52x104xi32>
    %shift_left3A_240 = arith.shli %xor3A_236, %shift_left3A_239 : vector<2x52x104xi32>
    %shift_right_logical3A_241 = arith.constant 17 : i32
    %shift_right_logical3A_242 = vector.broadcast %shift_right_logical3A_241 : i32 to vector<2x52x104xi32>
    %shift_right_logical3A_243 = arith.shrui %xor3A_236, %shift_right_logical3A_242 : vector<2x52x104xi32>
    %or3A_244 = arith.ori %shift_left3A_240, %shift_right_logical3A_243 : vector<2x52x104xi32>
    %xor3A_245 = arith.xori %or3A_244, %add3A_237 : vector<2x52x104xi32>
    %add3A_246 = arith.addi %add3A_237, %xor3A_245 : vector<2x52x104xi32>
    %shift_left3A_247 = arith.constant 26 : i32
    %shift_left3A_248 = vector.broadcast %shift_left3A_247 : i32 to vector<2x52x104xi32>
    %shift_left3A_249 = arith.shli %xor3A_245, %shift_left3A_248 : vector<2x52x104xi32>
    %shift_right_logical3A_250 = arith.constant 6 : i32
    %shift_right_logical3A_251 = vector.broadcast %shift_right_logical3A_250 : i32 to vector<2x52x104xi32>
    %shift_right_logical3A_252 = arith.shrui %xor3A_245, %shift_right_logical3A_251 : vector<2x52x104xi32>
    %or3A_253 = arith.ori %shift_left3A_249, %shift_right_logical3A_252 : vector<2x52x104xi32>
    %xor3A_254 = arith.xori %or3A_253, %add3A_246 : vector<2x52x104xi32>
    %add3A_255 = arith.addi %add3A_246, %xor3A_254 : vector<2x52x104xi32>
    %shift_left3A_256 = arith.constant 6 : i32
    %shift_left3A_257 = vector.broadcast %shift_left3A_256 : i32 to vector<2x52x104xi32>
    %shift_left3A_258 = arith.shli %xor3A_254, %shift_left3A_257 : vector<2x52x104xi32>
    %shift_right_logical3A_259 = arith.constant 26 : i32
    %shift_right_logical3A_260 = vector.broadcast %shift_right_logical3A_259 : i32 to vector<2x52x104xi32>
    %shift_right_logical3A_261 = arith.shrui %xor3A_254, %shift_right_logical3A_260 : vector<2x52x104xi32>
    %or3A_262 = arith.ori %shift_left3A_258, %shift_right_logical3A_261 : vector<2x52x104xi32>
    %xor3A_263 = arith.xori %or3A_262, %add3A_255 : vector<2x52x104xi32>
    %add3A_264 = arith.constant 466689008 : i32
    %add3A_265 = vector.broadcast %add3A_264 : i32 to vector<2x52x104xi32>
    %add3A_266 = arith.addi %add3A_255, %add3A_265 : vector<2x52x104xi32>
    %add3A_267 = arith.constant 5 : i32
    %add3A_268 = vector.broadcast %add3A_267 : i32 to vector<2x52x104xi32>
    %add3A_269 = arith.addi %xor3A_263, %add3A_268 : vector<2x52x104xi32>
    %xor3A_270 = arith.xori %add3A_266, %add3A_269 : vector<2x52x104xi32>
    %shift_right_logical3A_271 = arith.constant 9 : i32
    %shift_right_logical3A_272 = vector.broadcast %shift_right_logical3A_271 : i32 to vector<2x52x104xi32>
    %shift_right_logical3A_273 = arith.shrui %xor3A_270, %shift_right_logical3A_272 : vector<2x52x104xi32>
    %convert_element_type3A_274 = arith.uitofp %shift_right_logical3A_273 : vector<2x52x104xi32> to vector<2x52x104xf32>
    %lt3A_275 = vector.broadcast %mul3A_2 : f32 to vector<2x52x104xf32>
    %lt3A_276 = arith.cmpf olt, %convert_element_type3A_274, %lt3A_275 : vector<2x52x104xf32>
    %convert_element_type3A_277 = arith.extui %lt3A_276 : vector<2x52x104xi1> to vector<2x52x104xi32>
    %convert_element_type3A_278 = arith.sitofp %convert_element_type3A_277 : vector<2x52x104xi32> to vector<2x52x104xf32>
    %concatenate3A = tpu.concatenate %convert_element_type3A_278, %broadcast_in_dim3A_48 in 1 : vector<2x52x104xf32>, vector<2x4x104xf32> -> vector<2x56x104xf32>
    %scan3A = arith.constant 0 : i32
    %scan3A_279 = arith.constant 16 : i32
    %scan3A_280 = arith.addi %scan3A, %scan3A_279 : i32
    %scan3A_281 = arith.constant 1 : i32
    %scan3A_282:2 = scf.for %scan3A_294 = %scan3A to %scan3A_280 step %scan3A_281 iter_args(%scan3A_295 = %broadcast_in_dim3A_50, %scan3A_296 = %concatenate3A) -> (vector<1x1xf32>, vector<2x56x104xf32>)  : i32 {
      %reshape3A = vector.shape_cast %scan3A_296 : vector<2x56x104xf32> to vector<112x104xf32>
      %dot_general3A = arith.constant dense<0.000000e+00> : vector<112x112xf32>
      %dot_general3A_297 = tpu.matmul %reshape3A, %convert_element_type3A_47, %dot_general3A {dimension_numbers = #tpu.dot_dimension_numbers<[1], [0], [0], [1], [0, 0, 1, 1], [], []>, transpose_lhs_hint = false} : vector<112x104xf32>, vector<104x112xf32>, vector<112x112xf32> -> vector<112x112xf32>
      %reshape3A_298 = vector.shape_cast %dot_general3A_297 : vector<112x112xf32> to vector<2x56x112xf32>
      %add3A_299 = arith.constant 1 : i32
      %add3A_300 = arith.addi %scan3A_294, %add3A_299 : i32
      %mul3A_301 = arith.constant 64 : i32
      %mul3A_302 = arith.muli %arg0, %mul3A_301 : i32
      %mul3A_303 = arith.constant 4 : i32
      %mul3A_304 = arith.muli %add3A_300, %mul3A_303 : i32
      %add3A_305 = arith.addi %mul3A_302, %mul3A_304 : i32
      %mul3A_306 = arith.constant 2704 : i32
      %mul3A_307 = arith.muli %add3A_305, %mul3A_306 : i32
      %add3A_308 = vector.broadcast %mul3A_307 : i32 to vector<2x52x104xi32>
      %add3A_309 = arith.addi %add3A_20, %add3A_308 : vector<2x52x104xi32>
      %broadcast_in_dim3A_310 = arith.constant 0 : i32
      %broadcast_in_dim3A_311 = vector.broadcast %broadcast_in_dim3A_310 : i32 to vector<2x52x104xi32>
      %add3A_312 = arith.constant 42 : i32
      %add3A_313 = vector.broadcast %add3A_312 : i32 to vector<2x52x104xi32>
      %add3A_314 = arith.addi %add3A_309, %add3A_313 : vector<2x52x104xi32>
      %add3A_315 = arith.addi %broadcast_in_dim3A_311, %add3A_314 : vector<2x52x104xi32>
      %shift_left3A_316 = arith.constant 13 : i32
      %shift_left3A_317 = vector.broadcast %shift_left3A_316 : i32 to vector<2x52x104xi32>
      %shift_left3A_318 = arith.shli %add3A_314, %shift_left3A_317 : vector<2x52x104xi32>
      %shift_right_logical3A_319 = arith.constant 19 : i32
      %shift_right_logical3A_320 = vector.broadcast %shift_right_logical3A_319 : i32 to vector<2x52x104xi32>
      %shift_right_logical3A_321 = arith.shrui %add3A_314, %shift_right_logical3A_320 : vector<2x52x104xi32>
      %or3A_322 = arith.ori %shift_left3A_318, %shift_right_logical3A_321 : vector<2x52x104xi32>
      %xor3A_323 = arith.xori %or3A_322, %add3A_315 : vector<2x52x104xi32>
      %add3A_324 = arith.addi %add3A_315, %xor3A_323 : vector<2x52x104xi32>
      %shift_left3A_325 = arith.constant 15 : i32
      %shift_left3A_326 = vector.broadcast %shift_left3A_325 : i32 to vector<2x52x104xi32>
      %shift_left3A_327 = arith.shli %xor3A_323, %shift_left3A_326 : vector<2x52x104xi32>
      %shift_right_logical3A_328 = arith.constant 17 : i32
      %shift_right_logical3A_329 = vector.broadcast %shift_right_logical3A_328 : i32 to vector<2x52x104xi32>
      %shift_right_logical3A_330 = arith.shrui %xor3A_323, %shift_right_logical3A_329 : vector<2x52x104xi32>
      %or3A_331 = arith.ori %shift_left3A_327, %shift_right_logical3A_330 : vector<2x52x104xi32>
      %xor3A_332 = arith.xori %or3A_331, %add3A_324 : vector<2x52x104xi32>
      %add3A_333 = arith.addi %add3A_324, %xor3A_332 : vector<2x52x104xi32>
      %shift_left3A_334 = arith.constant 26 : i32
      %shift_left3A_335 = vector.broadcast %shift_left3A_334 : i32 to vector<2x52x104xi32>
      %shift_left3A_336 = arith.shli %xor3A_332, %shift_left3A_335 : vector<2x52x104xi32>
      %shift_right_logical3A_337 = arith.constant 6 : i32
      %shift_right_logical3A_338 = vector.broadcast %shift_right_logical3A_337 : i32 to vector<2x52x104xi32>
      %shift_right_logical3A_339 = arith.shrui %xor3A_332, %shift_right_logical3A_338 : vector<2x52x104xi32>
      %or3A_340 = arith.ori %shift_left3A_336, %shift_right_logical3A_339 : vector<2x52x104xi32>
      %xor3A_341 = arith.xori %or3A_340, %add3A_333 : vector<2x52x104xi32>
      %add3A_342 = arith.addi %add3A_333, %xor3A_341 : vector<2x52x104xi32>
      %shift_left3A_343 = arith.constant 6 : i32
      %shift_left3A_344 = vector.broadcast %shift_left3A_343 : i32 to vector<2x52x104xi32>
      %shift_left3A_345 = arith.shli %xor3A_341, %shift_left3A_344 : vector<2x52x104xi32>
      %shift_right_logical3A_346 = arith.constant 26 : i32
      %shift_right_logical3A_347 = vector.broadcast %shift_right_logical3A_346 : i32 to vector<2x52x104xi32>
      %shift_right_logical3A_348 = arith.shrui %xor3A_341, %shift_right_logical3A_347 : vector<2x52x104xi32>
      %or3A_349 = arith.ori %shift_left3A_345, %shift_right_logical3A_348 : vector<2x52x104xi32>
      %xor3A_350 = arith.xori %or3A_349, %add3A_342 : vector<2x52x104xi32>
      %add3A_351 = arith.constant 42 : i32
      %add3A_352 = vector.broadcast %add3A_351 : i32 to vector<2x52x104xi32>
      %add3A_353 = arith.addi %add3A_342, %add3A_352 : vector<2x52x104xi32>
      %add3A_354 = arith.constant 466689009 : i32
      %add3A_355 = vector.broadcast %add3A_354 : i32 to vector<2x52x104xi32>
      %add3A_356 = arith.addi %xor3A_350, %add3A_355 : vector<2x52x104xi32>
      %add3A_357 = arith.addi %add3A_353, %add3A_356 : vector<2x52x104xi32>
      %shift_left3A_358 = arith.constant 17 : i32
      %shift_left3A_359 = vector.broadcast %shift_left3A_358 : i32 to vector<2x52x104xi32>
      %shift_left3A_360 = arith.shli %add3A_356, %shift_left3A_359 : vector<2x52x104xi32>
      %shift_right_logical3A_361 = arith.constant 15 : i32
      %shift_right_logical3A_362 = vector.broadcast %shift_right_logical3A_361 : i32 to vector<2x52x104xi32>
      %shift_right_logical3A_363 = arith.shrui %add3A_356, %shift_right_logical3A_362 : vector<2x52x104xi32>
      %or3A_364 = arith.ori %shift_left3A_360, %shift_right_logical3A_363 : vector<2x52x104xi32>
      %xor3A_365 = arith.xori %or3A_364, %add3A_357 : vector<2x52x104xi32>
      %add3A_366 = arith.addi %add3A_357, %xor3A_365 : vector<2x52x104xi32>
      %shift_left3A_367 = arith.constant 29 : i32
      %shift_left3A_368 = vector.broadcast %shift_left3A_367 : i32 to vector<2x52x104xi32>
      %shift_left3A_369 = arith.shli %xor3A_365, %shift_left3A_368 : vector<2x52x104xi32>
      %shift_right_logical3A_370 = arith.constant 3 : i32
      %shift_right_logical3A_371 = vector.broadcast %shift_right_logical3A_370 : i32 to vector<2x52x104xi32>
      %shift_right_logical3A_372 = arith.shrui %xor3A_365, %shift_right_logical3A_371 : vector<2x52x104xi32>
      %or3A_373 = arith.ori %shift_left3A_369, %shift_right_logical3A_372 : vector<2x52x104xi32>
      %xor3A_374 = arith.xori %or3A_373, %add3A_366 : vector<2x52x104xi32>
      %add3A_375 = arith.addi %add3A_366, %xor3A_374 : vector<2x52x104xi32>
      %shift_left3A_376 = arith.constant 16 : i32
      %shift_left3A_377 = vector.broadcast %shift_left3A_376 : i32 to vector<2x52x104xi32>
      %shift_left3A_378 = arith.shli %xor3A_374, %shift_left3A_377 : vector<2x52x104xi32>
      %shift_right_logical3A_379 = arith.constant 16 : i32
      %shift_right_logical3A_380 = vector.broadcast %shift_right_logical3A_379 : i32 to vector<2x52x104xi32>
      %shift_right_logical3A_381 = arith.shrui %xor3A_374, %shift_right_logical3A_380 : vector<2x52x104xi32>
      %or3A_382 = arith.ori %shift_left3A_378, %shift_right_logical3A_381 : vector<2x52x104xi32>
      %xor3A_383 = arith.xori %or3A_382, %add3A_375 : vector<2x52x104xi32>
      %add3A_384 = arith.addi %add3A_375, %xor3A_383 : vector<2x52x104xi32>
      %shift_left3A_385 = arith.constant 24 : i32
      %shift_left3A_386 = vector.broadcast %shift_left3A_385 : i32 to vector<2x52x104xi32>
      %shift_left3A_387 = arith.shli %xor3A_383, %shift_left3A_386 : vector<2x52x104xi32>
      %shift_right_logical3A_388 = arith.constant 8 : i32
      %shift_right_logical3A_389 = vector.broadcast %shift_right_logical3A_388 : i32 to vector<2x52x104xi32>
      %shift_right_logical3A_390 = arith.shrui %xor3A_383, %shift_right_logical3A_389 : vector<2x52x104xi32>
      %or3A_391 = arith.ori %shift_left3A_387, %shift_right_logical3A_390 : vector<2x52x104xi32>
      %xor3A_392 = arith.xori %or3A_391, %add3A_384 : vector<2x52x104xi32>
      %add3A_393 = arith.constant 466689008 : i32
      %add3A_394 = vector.broadcast %add3A_393 : i32 to vector<2x52x104xi32>
      %add3A_395 = arith.addi %add3A_384, %add3A_394 : vector<2x52x104xi32>
      %add3A_396 = arith.constant 2 : i32
      %add3A_397 = vector.broadcast %add3A_396 : i32 to vector<2x52x104xi32>
      %add3A_398 = arith.addi %xor3A_392, %add3A_397 : vector<2x52x104xi32>
      %add3A_399 = arith.addi %add3A_395, %add3A_398 : vector<2x52x104xi32>
      %shift_left3A_400 = arith.constant 13 : i32
      %shift_left3A_401 = vector.broadcast %shift_left3A_400 : i32 to vector<2x52x104xi32>
      %shift_left3A_402 = arith.shli %add3A_398, %shift_left3A_401 : vector<2x52x104xi32>
      %shift_right_logical3A_403 = arith.constant 19 : i32
      %shift_right_logical3A_404 = vector.broadcast %shift_right_logical3A_403 : i32 to vector<2x52x104xi32>
      %shift_right_logical3A_405 = arith.shrui %add3A_398, %shift_right_logical3A_404 : vector<2x52x104xi32>
      %or3A_406 = arith.ori %shift_left3A_402, %shift_right_logical3A_405 : vector<2x52x104xi32>
      %xor3A_407 = arith.xori %or3A_406, %add3A_399 : vector<2x52x104xi32>
      %add3A_408 = arith.addi %add3A_399, %xor3A_407 : vector<2x52x104xi32>
      %shift_left3A_409 = arith.constant 15 : i32
      %shift_left3A_410 = vector.broadcast %shift_left3A_409 : i32 to vector<2x52x104xi32>
      %shift_left3A_411 = arith.shli %xor3A_407, %shift_left3A_410 : vector<2x52x104xi32>
      %shift_right_logical3A_412 = arith.constant 17 : i32
      %shift_right_logical3A_413 = vector.broadcast %shift_right_logical3A_412 : i32 to vector<2x52x104xi32>
      %shift_right_logical3A_414 = arith.shrui %xor3A_407, %shift_right_logical3A_413 : vector<2x52x104xi32>
      %or3A_415 = arith.ori %shift_left3A_411, %shift_right_logical3A_414 : vector<2x52x104xi32>
      %xor3A_416 = arith.xori %or3A_415, %add3A_408 : vector<2x52x104xi32>
      %add3A_417 = arith.addi %add3A_408, %xor3A_416 : vector<2x52x104xi32>
      %shift_left3A_418 = arith.constant 26 : i32
      %shift_left3A_419 = vector.broadcast %shift_left3A_418 : i32 to vector<2x52x104xi32>
      %shift_left3A_420 = arith.shli %xor3A_416, %shift_left3A_419 : vector<2x52x104xi32>
      %shift_right_logical3A_421 = arith.constant 6 : i32
      %shift_right_logical3A_422 = vector.broadcast %shift_right_logical3A_421 : i32 to vector<2x52x104xi32>
      %shift_right_logical3A_423 = arith.shrui %xor3A_416, %shift_right_logical3A_422 : vector<2x52x104xi32>
      %or3A_424 = arith.ori %shift_left3A_420, %shift_right_logical3A_423 : vector<2x52x104xi32>
      %xor3A_425 = arith.xori %or3A_424, %add3A_417 : vector<2x52x104xi32>
      %add3A_426 = arith.addi %add3A_417, %xor3A_425 : vector<2x52x104xi32>
      %shift_left3A_427 = arith.constant 6 : i32
      %shift_left3A_428 = vector.broadcast %shift_left3A_427 : i32 to vector<2x52x104xi32>
      %shift_left3A_429 = arith.shli %xor3A_425, %shift_left3A_428 : vector<2x52x104xi32>
      %shift_right_logical3A_430 = arith.constant 26 : i32
      %shift_right_logical3A_431 = vector.broadcast %shift_right_logical3A_430 : i32 to vector<2x52x104xi32>
      %shift_right_logical3A_432 = arith.shrui %xor3A_425, %shift_right_logical3A_431 : vector<2x52x104xi32>
      %or3A_433 = arith.ori %shift_left3A_429, %shift_right_logical3A_432 : vector<2x52x104xi32>
      %xor3A_434 = arith.xori %or3A_433, %add3A_426 : vector<2x52x104xi32>
      %add3A_435 = arith.constant 0 : i32
      %add3A_436 = vector.broadcast %add3A_435 : i32 to vector<2x52x104xi32>
      %add3A_437 = arith.addi %add3A_426, %add3A_436 : vector<2x52x104xi32>
      %add3A_438 = arith.constant 45 : i32
      %add3A_439 = vector.broadcast %add3A_438 : i32 to vector<2x52x104xi32>
      %add3A_440 = arith.addi %xor3A_434, %add3A_439 : vector<2x52x104xi32>
      %add3A_441 = arith.addi %add3A_437, %add3A_440 : vector<2x52x104xi32>
      %shift_left3A_442 = arith.constant 17 : i32
      %shift_left3A_443 = vector.broadcast %shift_left3A_442 : i32 to vector<2x52x104xi32>
      %shift_left3A_444 = arith.shli %add3A_440, %shift_left3A_443 : vector<2x52x104xi32>
      %shift_right_logical3A_445 = arith.constant 15 : i32
      %shift_right_logical3A_446 = vector.broadcast %shift_right_logical3A_445 : i32 to vector<2x52x104xi32>
      %shift_right_logical3A_447 = arith.shrui %add3A_440, %shift_right_logical3A_446 : vector<2x52x104xi32>
      %or3A_448 = arith.ori %shift_left3A_444, %shift_right_logical3A_447 : vector<2x52x104xi32>
      %xor3A_449 = arith.xori %or3A_448, %add3A_441 : vector<2x52x104xi32>
      %add3A_450 = arith.addi %add3A_441, %xor3A_449 : vector<2x52x104xi32>
      %shift_left3A_451 = arith.constant 29 : i32
      %shift_left3A_452 = vector.broadcast %shift_left3A_451 : i32 to vector<2x52x104xi32>
      %shift_left3A_453 = arith.shli %xor3A_449, %shift_left3A_452 : vector<2x52x104xi32>
      %shift_right_logical3A_454 = arith.constant 3 : i32
      %shift_right_logical3A_455 = vector.broadcast %shift_right_logical3A_454 : i32 to vector<2x52x104xi32>
      %shift_right_logical3A_456 = arith.shrui %xor3A_449, %shift_right_logical3A_455 : vector<2x52x104xi32>
      %or3A_457 = arith.ori %shift_left3A_453, %shift_right_logical3A_456 : vector<2x52x104xi32>
      %xor3A_458 = arith.xori %or3A_457, %add3A_450 : vector<2x52x104xi32>
      %add3A_459 = arith.addi %add3A_450, %xor3A_458 : vector<2x52x104xi32>
      %shift_left3A_460 = arith.constant 16 : i32
      %shift_left3A_461 = vector.broadcast %shift_left3A_460 : i32 to vector<2x52x104xi32>
      %shift_left3A_462 = arith.shli %xor3A_458, %shift_left3A_461 : vector<2x52x104xi32>
      %shift_right_logical3A_463 = arith.constant 16 : i32
      %shift_right_logical3A_464 = vector.broadcast %shift_right_logical3A_463 : i32 to vector<2x52x104xi32>
      %shift_right_logical3A_465 = arith.shrui %xor3A_458, %shift_right_logical3A_464 : vector<2x52x104xi32>
      %or3A_466 = arith.ori %shift_left3A_462, %shift_right_logical3A_465 : vector<2x52x104xi32>
      %xor3A_467 = arith.xori %or3A_466, %add3A_459 : vector<2x52x104xi32>
      %add3A_468 = arith.addi %add3A_459, %xor3A_467 : vector<2x52x104xi32>
      %shift_left3A_469 = arith.constant 24 : i32
      %shift_left3A_470 = vector.broadcast %shift_left3A_469 : i32 to vector<2x52x104xi32>
      %shift_left3A_471 = arith.shli %xor3A_467, %shift_left3A_470 : vector<2x52x104xi32>
      %shift_right_logical3A_472 = arith.constant 8 : i32
      %shift_right_logical3A_473 = vector.broadcast %shift_right_logical3A_472 : i32 to vector<2x52x104xi32>
      %shift_right_logical3A_474 = arith.shrui %xor3A_467, %shift_right_logical3A_473 : vector<2x52x104xi32>
      %or3A_475 = arith.ori %shift_left3A_471, %shift_right_logical3A_474 : vector<2x52x104xi32>
      %xor3A_476 = arith.xori %or3A_475, %add3A_468 : vector<2x52x104xi32>
      %add3A_477 = arith.constant 42 : i32
      %add3A_478 = vector.broadcast %add3A_477 : i32 to vector<2x52x104xi32>
      %add3A_479 = arith.addi %add3A_468, %add3A_478 : vector<2x52x104xi32>
      %add3A_480 = arith.constant 466689012 : i32
      %add3A_481 = vector.broadcast %add3A_480 : i32 to vector<2x52x104xi32>
      %add3A_482 = arith.addi %xor3A_476, %add3A_481 : vector<2x52x104xi32>
      %add3A_483 = arith.addi %add3A_479, %add3A_482 : vector<2x52x104xi32>
      %shift_left3A_484 = arith.constant 13 : i32
      %shift_left3A_485 = vector.broadcast %shift_left3A_484 : i32 to vector<2x52x104xi32>
      %shift_left3A_486 = arith.shli %add3A_482, %shift_left3A_485 : vector<2x52x104xi32>
      %shift_right_logical3A_487 = arith.constant 19 : i32
      %shift_right_logical3A_488 = vector.broadcast %shift_right_logical3A_487 : i32 to vector<2x52x104xi32>
      %shift_right_logical3A_489 = arith.shrui %add3A_482, %shift_right_logical3A_488 : vector<2x52x104xi32>
      %or3A_490 = arith.ori %shift_left3A_486, %shift_right_logical3A_489 : vector<2x52x104xi32>
      %xor3A_491 = arith.xori %or3A_490, %add3A_483 : vector<2x52x104xi32>
      %add3A_492 = arith.addi %add3A_483, %xor3A_491 : vector<2x52x104xi32>
      %shift_left3A_493 = arith.constant 15 : i32
      %shift_left3A_494 = vector.broadcast %shift_left3A_493 : i32 to vector<2x52x104xi32>
      %shift_left3A_495 = arith.shli %xor3A_491, %shift_left3A_494 : vector<2x52x104xi32>
      %shift_right_logical3A_496 = arith.constant 17 : i32
      %shift_right_logical3A_497 = vector.broadcast %shift_right_logical3A_496 : i32 to vector<2x52x104xi32>
      %shift_right_logical3A_498 = arith.shrui %xor3A_491, %shift_right_logical3A_497 : vector<2x52x104xi32>
      %or3A_499 = arith.ori %shift_left3A_495, %shift_right_logical3A_498 : vector<2x52x104xi32>
      %xor3A_500 = arith.xori %or3A_499, %add3A_492 : vector<2x52x104xi32>
      %add3A_501 = arith.addi %add3A_492, %xor3A_500 : vector<2x52x104xi32>
      %shift_left3A_502 = arith.constant 26 : i32
      %shift_left3A_503 = vector.broadcast %shift_left3A_502 : i32 to vector<2x52x104xi32>
      %shift_left3A_504 = arith.shli %xor3A_500, %shift_left3A_503 : vector<2x52x104xi32>
      %shift_right_logical3A_505 = arith.constant 6 : i32
      %shift_right_logical3A_506 = vector.broadcast %shift_right_logical3A_505 : i32 to vector<2x52x104xi32>
      %shift_right_logical3A_507 = arith.shrui %xor3A_500, %shift_right_logical3A_506 : vector<2x52x104xi32>
      %or3A_508 = arith.ori %shift_left3A_504, %shift_right_logical3A_507 : vector<2x52x104xi32>
      %xor3A_509 = arith.xori %or3A_508, %add3A_501 : vector<2x52x104xi32>
      %add3A_510 = arith.addi %add3A_501, %xor3A_509 : vector<2x52x104xi32>
      %shift_left3A_511 = arith.constant 6 : i32
      %shift_left3A_512 = vector.broadcast %shift_left3A_511 : i32 to vector<2x52x104xi32>
      %shift_left3A_513 = arith.shli %xor3A_509, %shift_left3A_512 : vector<2x52x104xi32>
      %shift_right_logical3A_514 = arith.constant 26 : i32
      %shift_right_logical3A_515 = vector.broadcast %shift_right_logical3A_514 : i32 to vector<2x52x104xi32>
      %shift_right_logical3A_516 = arith.shrui %xor3A_509, %shift_right_logical3A_515 : vector<2x52x104xi32>
      %or3A_517 = arith.ori %shift_left3A_513, %shift_right_logical3A_516 : vector<2x52x104xi32>
      %xor3A_518 = arith.xori %or3A_517, %add3A_510 : vector<2x52x104xi32>
      %add3A_519 = arith.constant 466689008 : i32
      %add3A_520 = vector.broadcast %add3A_519 : i32 to vector<2x52x104xi32>
      %add3A_521 = arith.addi %add3A_510, %add3A_520 : vector<2x52x104xi32>
      %add3A_522 = arith.constant 5 : i32
      %add3A_523 = vector.broadcast %add3A_522 : i32 to vector<2x52x104xi32>
      %add3A_524 = arith.addi %xor3A_518, %add3A_523 : vector<2x52x104xi32>
      %xor3A_525 = arith.xori %add3A_521, %add3A_524 : vector<2x52x104xi32>
      %shift_right_logical3A_526 = arith.constant 9 : i32
      %shift_right_logical3A_527 = vector.broadcast %shift_right_logical3A_526 : i32 to vector<2x52x104xi32>
      %shift_right_logical3A_528 = arith.shrui %xor3A_525, %shift_right_logical3A_527 : vector<2x52x104xi32>
      %convert_element_type3A_529 = arith.uitofp %shift_right_logical3A_528 : vector<2x52x104xi32> to vector<2x52x104xf32>
      %lt3A_530 = vector.broadcast %mul3A_2 : f32 to vector<2x52x104xf32>
      %lt3A_531 = arith.cmpf olt, %convert_element_type3A_529, %lt3A_530 : vector<2x52x104xf32>
      %convert_element_type3A_532 = arith.extui %lt3A_531 : vector<2x52x104xi1> to vector<2x52x104xi32>
      %convert_element_type3A_533 = arith.sitofp %convert_element_type3A_532 : vector<2x52x104xi32> to vector<2x52x104xf32>
      %concatenate3A_534 = tpu.concatenate %convert_element_type3A_533, %broadcast_in_dim3A_48 in 1 : vector<2x52x104xf32>, vector<2x4x104xf32> -> vector<2x56x104xf32>
      %gt3A = arith.constant 5.000000e-01 : f32
      %gt3A_535 = vector.broadcast %gt3A : f32 to vector<2x56x112xf32>
      %gt3A_536 = arith.cmpf ogt, %reshape3A_298, %gt3A_535 : vector<2x56x112xf32>
      %convert_element_type3A_537 = arith.extui %gt3A_536 : vector<2x56x112xi1> to vector<2x56x112xi32>
      %convert_element_type3A_538 = arith.sitofp %convert_element_type3A_537 : vector<2x56x112xi32> to vector<2x56x112xf32>
      %convert_element_type3A_539 = arith.truncf %convert_element_type3A_538 : vector<2x56x112xf32> to vector<2x56x112xbf16>
      %broadcast_in_dim3A_540 = arith.constant 0.000000e+00 : bf16
      %broadcast_in_dim3A_541 = vector.broadcast %broadcast_in_dim3A_540 : bf16 to vector<2x1x112xbf16>
      %slice3A = vector.extract_strided_slice %convert_element_type3A_539 {offsets = [0, 0, 0], sizes = [2, 55, 112], strides = [1, 1, 1]} : vector<2x56x112xbf16> to vector<2x55x112xbf16>
      %concatenate3A_542 = tpu.concatenate %broadcast_in_dim3A_541, %slice3A in 1 : vector<2x1x112xbf16>, vector<2x55x112xbf16> -> vector<2x56x112xbf16>
      %max3A = arith.maximumf %convert_element_type3A_539, %concatenate3A_542 : vector<2x56x112xbf16>
      %broadcast_in_dim3A_543 = arith.constant 0.000000e+00 : bf16
      %broadcast_in_dim3A_544 = vector.broadcast %broadcast_in_dim3A_543 : bf16 to vector<2x2x112xbf16>
      %slice3A_545 = vector.extract_strided_slice %max3A {offsets = [0, 0, 0], sizes = [2, 54, 112], strides = [1, 1, 1]} : vector<2x56x112xbf16> to vector<2x54x112xbf16>
      %concatenate3A_546 = tpu.concatenate %broadcast_in_dim3A_544, %slice3A_545 in 1 : vector<2x2x112xbf16>, vector<2x54x112xbf16> -> vector<2x56x112xbf16>
      %max3A_547 = arith.maximumf %max3A, %concatenate3A_546 : vector<2x56x112xbf16>
      %broadcast_in_dim3A_548 = arith.constant 0.000000e+00 : bf16
      %broadcast_in_dim3A_549 = vector.broadcast %broadcast_in_dim3A_548 : bf16 to vector<2x4x112xbf16>
      %slice3A_550 = vector.extract_strided_slice %convert_element_type3A_539 {offsets = [0, 0, 0], sizes = [2, 52, 112], strides = [1, 1, 1]} : vector<2x56x112xbf16> to vector<2x52x112xbf16>
      %concatenate3A_551 = tpu.concatenate %broadcast_in_dim3A_549, %slice3A_550 in 1 : vector<2x4x112xbf16>, vector<2x52x112xbf16> -> vector<2x56x112xbf16>
      %max3A_552 = arith.maximumf %max3A_547, %concatenate3A_551 : vector<2x56x112xbf16>
      %slice3A_553 = vector.extract_strided_slice %max3A_552 {offsets = [0, 0, 0], sizes = [2, 56, 56], strides = [1, 1, 1]} : vector<2x56x112xbf16> to vector<2x56x56xbf16>
      %slice3A_554 = vector.extract_strided_slice %max3A_552 {offsets = [0, 0, 56], sizes = [2, 56, 56], strides = [1, 1, 1]} : vector<2x56x112xbf16> to vector<2x56x56xbf16>
      %concatenate3A_555 = tpu.concatenate %slice3A_553, %slice3A_554 in 0 : vector<2x56x56xbf16>, vector<2x56x56xbf16> -> vector<4x56x56xbf16>
      %mul3A_556 = arith.constant 4 : i32
      %mul3A_557 = arith.muli %scan3A_294, %mul3A_556 : i32
      %swap3A_558 = arith.index_cast %mul3A_557 : i32 to index
      %swap3A_559 = arith.constant 0 : index
      %swap3A_560 = arith.constant 0 : index
      %swap3A_561 = vector.load %arg2[%swap3A_558, %swap3A_559, %swap3A_560] : memref<64x56x56xbf16, #tpu.memory_space<vmem>>, vector<4x56x56xbf16>
      tpu.vector_store %arg2[%swap3A_558, %swap3A_559, %swap3A_560], %concatenate3A_555 {strides = array<i32>} : memref<64x56x56xbf16, #tpu.memory_space<vmem>>, vector<4x56x56xbf16>,
      %convert_element_type3A_562 = arith.extf %max3A_552 : vector<2x56x112xbf16> to vector<2x56x112xf32>
      %reduce_sum3A = vector.shape_cast %convert_element_type3A_562 : vector<2x56x112xf32> to vector<1x2x56x112xf32>
      %reduce_sum3A_563 = arith.constant dense<0.000000e+00> : vector<1xf32>
      %reduce_sum3A_564 = vector.multi_reduction <add>, %reduce_sum3A, %reduce_sum3A_563 [1, 2, 3] : vector<1x2x56x112xf32> to vector<1xf32>
      %reduce_sum3A_565 = vector.shape_cast %reduce_sum3A_564 : vector<1xf32> to vector<1x1x1x1xf32>
      %reduce_sum3A_566 = vector.extract %reduce_sum3A_565[0, 0, 0, 0] : f32 from vector<1x1x1x1xf32>
      %add3A_567 = vector.broadcast %reduce_sum3A_566 : f32 to vector<1x1xf32>
      %add3A_568 = arith.addf %scan3A_295, %add3A_567 : vector<1x1xf32>
      scf.yield %add3A_568, %concatenate3A_534 : vector<1x1xf32>, vector<2x56x104xf32>
    }
    %scan3A_283 = arith.constant 16 : i32
    %broadcast_in_dim3A_284 = vector.shape_cast %scan3A_282#0 : vector<1x1xf32> to vector<1x1xf32>
    %broadcast_in_dim3A_285 = vector.broadcast %broadcast_in_dim3A_284 : vector<1x1xf32> to vector<1x128xf32>
    %mul3A_286 = arith.constant 7.812500e-03 : f32
    %mul3A_287 = vector.broadcast %mul3A_286 : f32 to vector<1x128xf32>
    %mul3A_288 = arith.mulf %broadcast_in_dim3A_285, %mul3A_287 : vector<1x128xf32>
    %swap3A = arith.constant 0 : index
    %swap3A_289 = arith.constant 0 : index
    %swap3A_290 = arith.constant 0 : index
    %swap3A_291 = vector.load %arg3[%swap3A, %swap3A_289, %swap3A_290] : memref<1x1x128xf32, #tpu.memory_space<vmem>>, vector<1x1x128xf32>
    %swap3A_292 = vector.shape_cast %swap3A_291 : vector<1x1x128xf32> to vector<1x128xf32>
    %swap3A_293 = vector.shape_cast %mul3A_288 : vector<1x128xf32> to vector<1x1x128xf32>
    tpu.vector_store %arg3[%swap3A, %swap3A_289, %swap3A_290], %swap3A_293 {strides = array<i32>} : memref<1x1x128xf32, #tpu.memory_space<vmem>>, vector<1x1x128xf32>,
    return
  }
  func.func @transform_0(%arg0: i32) -> (i32, i32) {
    %c0_i32 = arith.constant 0 : i32
    %c0_i32_0 = arith.constant 0 : i32
    %c0_i32_1 = arith.constant 0 : i32
    return %c0_i32, %c0_i32_0 : i32, i32
  }
  func.func @transform_1(%arg0: i32) -> (i32, i32, i32) {
    %c0_i32 = arith.constant 0 : i32
    %c0_i32_0 = arith.constant 0 : i32
    %c0_i32_1 = arith.constant 0 : i32
    return %arg0, %c0_i32, %c0_i32_0 : i32, i32, i32
  }
  func.func @transform_2(%arg0: i32) -> (i32, i32, i32) {
    %c0_i32 = arith.constant 0 : i32
    %c0_i32_0 = arith.constant 0 : i32
    %c0_i32_1 = arith.constant 0 : i32
    return %arg0, %c0_i32, %c0_i32_0 : i32, i32, i32
  }
}

</mosaic_0001>

<sc_bundles>
// kernel: sparse-core-data-format-call.cloned.1.call-start
scs
called_computation_lowered:
.L_overlay_start_0:
0x0: {  	s2 =	sld [smem:$0x3FD9]  }
0x1: {  	s3 =	sld [smem:$0x3FFE];
	_ =	sdelay $0x1  }
0x2: {  	s1 =	srdreg.scid  }
0x3: {  	s0 =	sand.u32 $0x1, s1  }
0x4: {  	s18 =	sshll.u32 s0, $0xA;
	s2 =	sadd.s32 s3, s2  }
0x5: {  	s2 =	sadd.s32 s2, s18  }
0x6: {  	[smem:$0x3FC6] =	sst s2  }
0x7: {  	_ = 	snop  }
0x8: {  	s2 =	sld [smem:$0x3FD0];
	(tm) =	ssettm $0x1  }
0x9: {  	s19 =	sld [smem:$0x3FFB];
	_ =	sdelay $0x3  }
0xa: {  	_ =	strace s19  }
0xb: {  	s3 =	sld [smem:$0x3FFC];
	_ =	sdelay $0x3  }
0xc: {  	_ =	strace s3  }
0xd: {  	s3 =	sld [smem:$0x3FFD];
	_ =	sdelay $0x3  }
0xe: {  	_ =	strace s3  }
0xf: {  	_ =	strace $0x8FFFFFFF  }
0x10: {  	s20 =	sld [smem:$0x3FDB];
	_ =	sdelay $0x1  }
0x11: {  	s4 =	simm.s32 $_scs_section_size  }
0x12: {  	s5 =	simm.s32 $_size__tile_overlayer_lowered;
	s6 =	simm.s32 $_tile_overlayer_lowered  }
0x13: {  	s23 =	simm.s32 $0x1BFF;
	s22 =	sshll.u32 s6, $0x1;
	s3 =	sadd.s32 s4, s20  }
0x14: {  	s7 =	simm.s32 $0x0;
	s21 =	sshll.u32 s5, $0x1;
	s5 =	sadd.s32 s22, s3  }
0x15: {  	[timem:s7], [sflag:s23] =	dma.local [hbm:s5], s21  }
0x16: {  	_ =	swait.ge [sflag:s23], s21  }
0x17: {  	s4 =	ssub.s32 $0x0, s21;
	[sflag:s23] =	ssyncset.done $0x0  }
0x18: {  	[sflag:s23] =	ssyncadd.s32 s4;
	_ =	sdelay $0x1  }
0x19: {  	s24 =	simm.s32 $0x1B8B  }
0x1a: {  	_ =	swait.ge [sflag:s24], $0x1  }
0x1b: {  	[sflag:s24] =	ssyncset.done $0x0  }
0x1c: {  	s26 =	simm.s32 $0x1B8E;
	s25 =	sld [smem:$0x3FFE];
	[sflag:s24] =	ssyncadd.s32 $0xFFFFFFFF  }
0x1d: {  	s27 =	simm.s32 $execute0_lowered;
	[smem:$0x3FD2] =	sst s26  }
0x1e: {  	s5 =	sshll.u32 s27, $0x1;
	_ =	strace $0x80000046;
	[dreg:$0x1] =	wrdreg $0xFFFFFFFF  }
0x1f: {  	s28 =	simm.s32 $_size_execute0_lowered;
	s3 =	sadd.s32 s3, s5;
	[dreg:$0x0] =	wrdreg $0x0  }
0x20: {  	s5 =	sshll.u32 s28, $0x1;
	[dreg:$0x2] =	wrdreg s3  }
0x21: {  	[dreg:$0x3] =	wrdreg s5  }
0x22: {  	[dreg:$0x4] =	wrdreg $0xC0  }
0x23: {  	_ =	task [dreg:s7], $0x5FFFF  }
0x24: {  	[dreg:$0x1] =	wrdreg $0xFFFFFFFF  }
0x25: {  	[dreg:$0x0] =	wrdreg $0x60  }
0x26: {  	[dreg:$0x2] =	wrdreg s25  }
0x27: {  	[dreg:$0x3] =	wrdreg s2  }
0x28: {  	[dreg:$0x4] =	wrdreg $0x9  }
0x29: {  	_ =	task.clear_ibuf [dreg:s7], $0x5FFFF;
	_ =	strace $0x90000046  }
0x2a: {  	s29 =	simm.s32 $0x9;
	_ =	strace $0x80000048  }
0x2b: {  	_ =	swait.ge [sflag:s29], $0x1  }
0x2c: {  	[sflag:s29] =	ssyncadd.s32 $0xFFFFFFFF  }
0x2d: {  	_ =	strace $0x90000048  }
0x2e: {  	_ =	sfence  }
0x2f: {  	s30 =	sld [smem:$0x0];
	_ =	sdelay $0x2  }
0x30: {  	s31 =	sshll.u32 s1, $0xD;
	s1 =	sshrl.u32 s1, $0x2  }
0x31: {  	s3 =	sand.u32 $0x4000, s31;
	s1 =	sadd.s32 s1, s30  }
0x32: {  	s0 =	sor.u32 s3, s0;
	s1 =	sshll.u32 s1, $0x11  }
0x33: {  	s0 =	sor.u32 s1, s0  }
0x34: {  	s0 =	sadd.s32 $0x8F2B, s0  }
0x35: {  	[sflag:s0] =	ssyncadd.remote.s32 $0x1  }
0x36: {  	_ =	sfence.sel $0xFFFF  }
0x37: {  	[dreg:$0x0] =	wrdreg $0xFFFFFFFF;
	(pc) =	sbr.abs _section_cstart, $3  }
0x38: {  	[dreg:$0x1] =	wrdreg $0xFFFFFFFF  }
0x39: {  	_ =	task.clear_ibuf [dreg:s7], $0x2FFFF;
	_ =	strace $0x9FFFFFFF  }
0x3a: {  	(tm) =	ssettm $0x7FFFFFFF  }
0x3b: {  	_ =	shalt  }
tec
execute0_lowered:
.L_overlay_start_1:
0x0: {  	(tag) =	ssettag $0x1  }
0x1: {  	s0 =	rddreg [dreg:$0x0];
	s1 =	srdreg.scid  }
0x2: {  	_ =	strace $0x80000047;
	s30 =	stileid.u32;
	s2 =	simm.s32 $0x1  }
0x3: {  	s31 =	simm.s32 $0x2;
	s17 =	simm.s32 $0x0;
	p0 =	por $0x0, $0x0  }
0x4: {  	s15 =	simm.s32 $0x0;
	s16 =	simm.s32 $0x0;
	s14 =	simm.s32 $0x0  }
.Ltmp0:
0x5: {  	s9 =	simm.s32 $0x0;
	s10 =	simm.s32 $0x0;
	(pc) =	sbr.rel .LBB1_1-.Ltmp0, $4  }
0x6: {  	s11 =	simm.s32 $0x0;
	s12 =	simm.s32 $0x0;
	s29 =	sshll.u32 s1, $0x4  }
0x7: {  	s8 =	simm.s32 $0x0;
	s6 =	sadd.s32 $0x540600, s0;
	s0 =	sand.u32 $0x10, s29  }
0x8: {  	[sflag:s2] =	ssyncpa.u1 $0x0;
	[dreg:$0x3] =	wrdreg s6;
	s7 =	sor.u32 s30, s0  }
0x9: {  	[sflag:s31] =	ssyncpa.u1 $0x0;
	s13 =	smov.u32 s7;
	[dreg:$0x4] =	wrdreg s7  }
.LBB1_13:
0xa: {  	s1 =	rddreg [dreg:$0x9]  }
0xb: {  	s25 =	rddreg [dreg:$0xa]  }
0xc: {  	p1 =	sgt.s32 s9, $0x80;
	s0 =	smov.u32 s9;
	s3 =	rddreg [dreg:$0x7]  }
0xd: {  	s2 =	sshrl.u32 s9, $0x5;
	s4 =	rddreg [dreg:$0x8];
	s0 =	simm.s32 @!p1 $0x80  }
0xe: {  	s27 =	smul.u32 $0x18800, s10;
	s14 =	rddreg [dreg:$0x5];
	s0 =	sadd.s32 s1, s0  }
0xf: {  	s2 =	sand.u32 $0xFFFFFC, s2;
	s28 =	smul.u32 $0x700, s14;
	s1 =	sadd.s32 $0xFFFFFF80, s0  }
0x10: {  	s26 =	smulhi.u32 $0x4924925, s2;
	s0 =	ssub.s32 $0x100, s0;
	p1 =	sgt.s32 s1, $0x7F  }
0x11: {  	s5 =	sshrl.u32 s9, $0x3;
	s1 =	smul.u32 $0x2040, s25;
	s0 =	simm.s32 @p1 $0x0  }
0x12: {  	s6 =	rddreg [dreg:$0x1];
	s29 =	sand.u32 $0x7, s9;
	s0 =	smul.u32 s0, s3  }
0x13: {  	s31 =	simm.s32 $0x800;
	s7 =	rddreg [dreg:$0x4];
	s3 =	smul.u32 $0x38, s26  }
0x14: {  	s17 =	rddreg [dreg:$0x6];
	s5 =	sand.u32 $0xF, s5;
	s0 =	smul.u32 s4, s0  }
0x15: {  	s1 =	sor.u32 $0x4000, s1;
	s2 =	ssub.s32 s2, s3;
	s4 =	sadd.s32 s6, s27  }
0x16: {  	s6 =	rddreg [dreg:$0x3];
	s3 =	sadd.s32 s28, s4;
	s0 =	smul.u32 $0x38, s0  }
0x17: {  	s2 =	sshll.u32 s2, $0x5;
	s4 =	sshll.u32 s29, $0x12;
	s3 =	sadd.s32 s5, s3  }
0x18: {  	s30 =	sor.u32 $0x400, s4;
	s2 =	sadd.s32 s2, s3;
	s0 =	sand.u32 $0x3FFFFFF8, s0  }
0x19: {  	[hbm4b:s2+s30] =	stream.strided.scatter [tilespmem:s1], [sflag:$0x2], s0, s31, s30, $0x20;
	[tilespmem:$0x8080] =	vst v63  }
.LBB1_14:
0x1a: {  	p1 =	slt.u32 s8, $0x2  }
0x1b: {  	p2 =	sgt.s32 @!p1 s16, $0x1F  }
0x1c: {  	s0 =	smov.u32 s16;
	s1 =	sshra.s32 @!p1 s16, $0x1F;
	p2 =	por !p2, p1  }
0x1d: {  	s1 =	sand.u32 @!p1 s1, s16;
	s0 =	simm.s32 @p2 $0x1F  }
0x1e: {  	s0 =	ssub.s32 @!p1 s0, s1  }
0x1f: {  	s3 =	smov.u32 s17;
	p3 =	sgt.s32 @!p1 s15, $0x80;
	s1 =	sadd.s32 @!p1 $0xFFFFFFE1, s0  }
0x20: {  	p3 =	por !p3, p1;
	p2 =	sgt.s32 @!p1 s1, $0x0;
	s1 =	smov.u32 s15  }
0x21: {  	s2 =	sshra.s32 @!p1 s15, $0x1F;
	s1 =	simm.s32 @p3 $0x80;
	p3 =	sgt.s32 @!p1 s17, $0x37  }
0x22: {  	s4 =	sshra.s32 @!p1 s17, $0x1F;
	s2 =	sand.u32 @!p1 s2, s15;
	p3 =	por !p3, p1  }
0x23: {  	s4 =	sand.u32 @!p1 s4, s17;
	s1 =	ssub.s32 @!p1 s1, s2;
	s3 =	simm.s32 @p3 $0x37  }
0x24: {  	s0 =	ssub.s32 @!p1 $0x20, s0;
	s2 =	ssub.s32 @!p1 s3, s4;
	s3 =	sadd.s32 @!p1 $0xFFFFFF80, s1  }
0x25: {  	s0 =	smul.u32 @!p1 $0x38, s0;
	p2 =	por !p2, p1;
	p3 =	sgt.s32 @!p1 s3, $0x7F  }
0x26: {  	s1 =	ssub.s32 @!p1 $0x100, s1;
	s4 =	sadd.s32 @!p1 $0xFFFFFFC9, s2;
	p3 =	por !p3, p1  }
0x27: {  	s0 =	simm.s32 @!p2 $0x0;
	s1 =	simm.s32 @!p3 $0x0;
	p3 =	sgt.s32 @!p1 s4, $0x0  }
0x28: {  	s2 =	ssub.s32 @!p1 $0x38, s2;
	p2 =	por !p3, p1;
	s0 =	smul.u32 @!p1 s1, s0  }
0x29: {  	s3 =	smov.u32 s12;
	s1 =	sadd.s32 $0x1, s11;
	s2 =	simm.s32 @!p2 $0x0  }
0x2a: {  	p2 =	sgt.s32 s1, $0x37;
	s0 =	smul.u32 @!p1 s2, s0;
	s2 =	sadd.s32 $0x80, s12  }
0x2b: {  	s3 =	smov.u32 @p2 s2  }
0x2c: {  	s5 =	smov.u32 s13;
	s2 =	sadd.s32 $0x20, s13;
	p3 =	sgt.s32 s3, $0xBF  }
0x2d: {  	s8 =	sadd.s32 $0x1, s8;
	p0 =	por !p0, !p0;
	s5 =	smov.u32 @p3 s2  }
0x2e: {  	s16 =	smov.u32 s10;
	s1 =	simm.s32 @p2 $0x0;
	p2 =	sgt.s32 s5, $0x1F  }
0x2f: {  	s10 =	smov.u32 s13;
	s5 =	smov.u32 @p2 s7;
	p2 =	sne.s32 s8, $0x72  }
.Ltmp1:
0x30: {  	s15 =	smov.u32 s9;
	s9 =	smov.u32 s12;
	(pc) =	sbr.rel @!p2 .LBB1_15-.Ltmp1, $4  }
0x31: {  	s17 =	smov.u32 s14;
	s4 =	simm.s32 @!p1 $0x2;
	s0 =	sand.u32 @!p1 $0x3FFFFFF8, s0  }
0x32: {  	s14 =	smov.u32 s11;
	s11 =	smov.u32 s1;
	_ =	swait.ge @!p1 [sflag:s4], s0  }
0x33: {  	s0 =	ssub.s32 @!p1 $0x0, s0;
	s3 =	simm.s32 @p3 $0x0;
	[sflag:s4] =	ssyncset.done @!p1 $0x0  }
0x34: {  	s12 =	smov.u32 s3;
	[sflag:s4] =	ssyncadd.s32 @!p1 s0;
	s13 =	smov.u32 s5  }
.LBB1_1:
0x35: {  	p1 =	sgt.u32 s8, $0x6F  }
0x36: {  	s1 =	smov.u32 s13;
	s4 =	smov.u32 s12;
	p2 =	sgt.s32 @!p1 s13, $0x1F  }
0x37: {  	s0 =	sand.u32 @!p1 $0x1FFFFFF, s11;
	s3 =	sshra.s32 @!p1 s13, $0x1F;
	p2 =	por !p2, p1  }
0x38: {  	s5 =	sshra.s32 @!p1 s12, $0x1F;
	s1 =	simm.s32 @p2 $0x1F;
	p2 =	sgt.s32 @!p1 s12, $0x40  }
0x39: {  	s2 =	smulhi.u32 @!p1 $0x4924925, s0;
	s3 =	sand.u32 @!p1 s3, s13;
	p2 =	por !p2, p1  }
0x3a: {  	s5 =	sand.u32 @!p1 s5, s12;
	s1 =	ssub.s32 @!p1 s1, s3;
	s4 =	simm.s32 @p2 $0x40  }
0x3b: {  	p2 =	sgt.s32 @!p1 s11, $0x37;
	s1 =	sadd.s32 @!p1 $0xFFFFFFE1, s1;
	s3 =	ssub.s32 @!p1 s4, s5  }
0x3c: {  	p2 =	por !p2, p1;
	s5 =	smov.u32 s11;
	s4 =	sadd.s32 @!p1 $0xFFFFFFC0, s3  }
0x3d: {  	s5 =	simm.s32 @p2 $0x37;
	p3 =	sgt.s32 @!p1 s4, $0x7F;
	s4 =	sshra.s32 @!p1 s11, $0x1F  }
0x3e: {  	p2 =	sgt.s32 @!p1 s1, $0x0;
	s1 =	sshll.u32 @!p1 s1, $0x6;
	s4 =	sand.u32 @!p1 s4, s11  }
0x3f: {  	s3 =	ssub.s32 @!p1 $0xC0, s3;
	s1 =	ssub.s32 @!p1 $0x40, s1;
	s4 =	ssub.s32 @!p1 s5, s4  }
0x40: {  	p2 =	por !p2, p1;
	p3 =	por !p3, p1;
	s5 =	sadd.s32 @!p1 $0xFFFFFFC9, s4  }
0x41: {  	s1 =	simm.s32 @!p2 $0x0;
	s3 =	simm.s32 @!p3 $0x0;
	p3 =	sgt.s32 @!p1 s5, $0x0  }
0x42: {  	s4 =	ssub.s32 @!p1 $0x38, s4;
	s1 =	smul.u32 @!p1 s3, s1;
	p2 =	por !p3, p1  }
0x43: {  	s2 =	smul.u32 @!p1 $0x38, s2;
	s4 =	simm.s32 @!p2 $0x0  }
0x44: {  	s1 =	smul.u32 @!p1 s4, s1  }
0x45: {  	s4 =	smul.u32 @!p1 $0x2A000, s13  }
0x46: {  	s0 =	ssub.s32 @!p1 s0, s2;
	s3 =	sxor.u32 @!p1 $0xFFFFFFFF, s8;
	s5 =	smul.u32 @!p1 $0x380, s12  }
0x47: {  	s0 =	sshll.u32 @!p1 s0, $0x4;
	s3 =	sshll.u32 @!p1 s3, $0xD;
	s2 =	sadd.s32 @!p1 s6, s4  }
0x48: {  	s3 =	sand.u32 @!p1 $0x2000, s3;
	s1 =	sand.u32 @!p1 $0x3FFFFFC0, s1;
	s2 =	sadd.s32 @!p1 s5, s2  }
0x49: {  	s4 =	simm.s32 @!p1 $0x1C00;
	s0 =	sadd.s32 @!p1 s0, s2;
	s2 =	simm.s32 @!p1 $0x40  }
0x4a: {  	[tilespmem:s3], [sflag:$0x1] =	stream.strided.gather @!p1 [hbm4b:s0+s2], s1, s4, s2, $0x38;
	[tilespmem:$0x8080] =	vst v63  }
0x4b: {  	p1 =	seq.s32 s8, $0x0  }
0x4c: {  	p2 =	seq.s32 @!p1 s8, $0x71  }
0x4d: {  	p1 =	por p1, p2  }
.Ltmp2:
0x4e: {  	_ = 	snop;
	(pc) =	sbr.rel @p1 .LBB1_14-.Ltmp2, $1  }
0x4f: {  	_ =	sdelay $0x3  }
0x50: {  	p1 =	sgt.s32 s10, $0x1F  }
0x51: {  	s0 =	smov.u32 s10;
	s1 =	sshra.s32 s10, $0x1F;
	s25 =	ssub.s32 $0x0, s9  }
0x52: {  	s2 =	sshra.s32 s9, $0x1F;
	p2 =	sgt.s32 s14, $0x37;
	s3 =	smov.u32 s14  }
0x53: {  	s4 =	sshra.s32 s14, $0x1F;
	p3 =	sgt.s32 s9, $0x40;
	s5 =	smov.u32 s9  }
0x54: {  	s0 =	simm.s32 @!p1 $0x1F;
	s1 =	sand.u32 s1, s10;
	s3 =	simm.s32 @!p2 $0x37  }
0x55: {  	s4 =	sand.u32 s4, s14;
	s2 =	sand.u32 s25, s2;
	s5 =	simm.s32 @!p3 $0x40  }
0x56: {  	s0 =	ssub.s32 s0, s1;
	s26 =	ssub.s32 s3, s4;
	[dreg:$0x9] =	wrdreg s2  }
0x57: {  	s27 =	sadd.s32 s2, s5;
	s2 =	sadd.s32 $0x1, s10;
	s1 =	sadd.s32 $0xFFFFFFE1, s0  }
0x58: {  	s4 =	ssub.s32 $0x20, s0;
	s28 =	sadd.s32 $0xFFFFFFC9, s26;
	s29 =	sadd.s32 $0xFFFFFFC0, s27  }
0x59: {  	p1 =	sgt.s32 s1, $0x0;
	p2 =	sgt.s32 s28, $0x0;
	s1 =	ssub.s32 $0x38, s26  }
0x5a: {  	s0 =	ssub.s32 $0xC0, s27;
	s4 =	simm.s32 @p1 $0x0;
	s1 =	simm.s32 @p2 $0x0  }
0x5b: {  	p1 =	sgt.s32 s29, $0x7F;
	[dreg:$0x8] =	wrdreg s1;
	s1 =	smul.u32 s4, s1  }
0x5c: {  	s3 =	sadd.s32 $0x80, s9;
	s0 =	simm.s32 @p1 $0x0;
	p1 =	slt.s32 s2, $0x20  }
0x5d: {  	s2 =	simm.s32 @!p1 $0x20;
	p1 =	slt.s32 s3, $0xC0;
	s0 =	smul.u32 s0, s1  }
0x5e: {  	s20 =	ssub.s32 s2, s10;
	s3 =	simm.s32 @!p1 $0xC0;
	s1 =	sadd.s32 $0x1, s14  }
0x5f: {  	s21 =	ssub.s32 s3, s9;
	p2 =	slt.s32 s1, $0x38;
	p1 =	slt.s32 s20, $0x1  }
0x60: {  	s1 =	simm.s32 @!p2 $0x38;
	p2 =	slt.s32 @!p1 s21, $0x1  }
0x61: {  	s23 =	ssub.s32 s1, s14;
	p2 =	por p1, p2  }
0x62: {  	p3 =	slt.s32 @!p2 s23, $0x1  }
0x63: {  	[dreg:$0x6] =	wrdreg s17;
	p2 =	por p2, p3  }
.Ltmp3:
0x64: {  	[dreg:$0x5] =	wrdreg s14;
	s0 =	sshll.u32 s0, $0x6;
	(pc) =	sbr.rel @p2 .LBB1_13-.Ltmp3, $4  }
0x65: {  	s30 =	simm.s32 $0x1;
	[dreg:$0x7] =	wrdreg s4;
	s0 =	sand.u32 $0x3FFFFFC0, s0  }
0x66: {  	_ =	swait.ge [sflag:s30], s0  }
0x67: {  	s31 =	sand.u32 $0x1, s8;
	s0 =	ssub.s32 $0x0, s0;
	[sflag:s30] =	ssyncset.done $0x0  }
0x68: {  	[dreg:$0xa] =	wrdreg s31;
	[sflag:s30] =	ssyncadd.s32 s0  }
0x69: {  	s0 =	simm.s32 $0x1  }
0x6a: {  	s0 =	simm.s32 @!p0 $0x0  }
0x6b: {  	s0 =	smul.u32 $0x8100, s0  }
.Ltmp4:
0x6c: {  	_ = 	snop;
	(pc) =	sbr.rel .LBB1_4-.Ltmp4, $4  }
0x6d: {  	_ = 	snop  }
0x6e: {  	s0 =	sshrl.u32 s0, $0x2  }
0x6f: {  	s24 =	sor.u32 $0x4000, s0;
	s0 =	rddreg [dreg:$0xa]  }
0x70: {  	s26 =	simm.s32 $0x0;
	s25 =	sshll.u32 @!p1 s0, $0xD  }
.LBB1_12:
0x71: {  	s26 =	sadd.s32 $0x1, s26  }
0x72: {  	p1 =	sne.s32 s26, s20  }
.Ltmp5:
0x73: {  	_ = 	snop;
	(pc) =	sbr.rel @!p1 .LBB1_13-.Ltmp5, $2  }
0x74: {  	_ =	sdelay $0x2  }
0x75: {  	s24 =	sadd.s32 $0x2040, s24  }
.LBB1_4:
0x76: {  	s0 =	sshll.u32 s26, $0xF;
	s28 =	simm.s32 $0x800  }
0x77: {  	s29 =	simm.s32 $0x1800;
	s30 =	simm.s32 $0x0;
	s0 =	sshra.s32 s0, $0x2  }
0x78: {  	s31 =	simm.s32 $0x0;
	s27 =	sadd.s32 s0, s25;
	s0 =	simm.s32 $0x0  }
.LBB1_5:
0x79: {  	s1 =	sshrl.u32 s30, $0xA;
	s2 =	sshll.u32 s0, $0x8  }
0x7a: {  	s3 =	sshrl.u32 s28, $0xA;
	s4 =	sshrl.u32 s29, $0xA;
	s2 =	sshra.s32 s2, $0x2  }
0x7b: {  	s5 =	sshrl.u32 s0, $0x4;
	s1 =	sand.u32 $0x7, s1;
	s2 =	sadd.s32 s2, s27  }
0x7c: {  	s14 =	sand.u32 $0x7F, s31;
	s3 =	sand.u32 $0x7, s3;
	s1 =	smul.u32 $0x1020, s1;
	v0 =	vmov s2  }
0x7d: {  	s6 =	sand.u32 $0x7, s4;
	s7 =	sand.u32 $0x38, s5;
	s3 =	smul.u32 $0x1020, s3  }
0x7e: {  	s17 =	simm.s32 $0x0;
	s6 =	smul.u32 $0x1020, s6;
	s18 =	sxor.u32 $0x20, s7  }
0x7f: {  	p2 =	sne.s32 s23, $0x1;
	p1 =	por $0x0, $0x0;
	s4 =	smul.u32 $0x204, s18  }
.Ltmp6:
0x80: {  	s17 =	sand.u32 $0x1C0, s17;
	s18 =	sshll.u32 s14, $0x2;
	(pc) =	sbr.rel @!p2 .LBB1_6-.Ltmp6, $4  }
0x81: {  	s1 =	sshrl.u32 s1, $0x2;
	s19 =	sshrl.u32 s3, $0x2;
	s22 =	sshrl.u32 s6, $0x2;
	v7 =	vld.idx.msk [tilespmem:v0+s17+$0x30 ss:$0x1], $0xffff  }
0x82: {  	s6 =	sshrl.u32 s18, $0x2;
	s2 =	sadd.s32 s1, s24;
	s4 =	sshrl.u32 s4, $0x2;
	v8 =	vld.idx.msk [tilespmem:v0+s17+$0x0 ss:$0x1], $0xffff  }
0x83: {  	s5 =	sadd.s32 s19, s24;
	s1 =	sadd.s32 s22, s24;
	s19 =	sadd.s32 s4, s24;
	v6 =	vld.idx.msk [tilespmem:v0+s17+$0x10 ss:$0x1], $0xffff  }
0x84: {  	s4 =	sadd.s32 $0xFFFFFFFF, s23;
	s3 =	sadd.s32 s6, s1;
	v5 =	vld.idx.msk [tilespmem:v0+s17+$0x20 ss:$0x1], $0xffff;
	s17 =	simm.s32 $0x40  }
0x85: {  	_ =	sdelay $0x1  }
0x86: {  	p2 =	sne.s32 s4, $0x1  }
.Ltmp7:
0x87: {  	s18 =	sand.u32 $0x1C0, s17;
	(pc) =	sbr.rel @!p2 .LBB1_8-.Ltmp7, $4  }
0x88: {  	s22 =	sadd.s32 s6, s2;
	s7 =	sadd.s32 s6, s5;
	v1 =	vld.idx.msk [tilespmem:v0+s18+$0x30 ss:$0x1], $0xffff;
	[tilespmem:s3+$0x0 ss:$0x81] =	vst.msk $0xffff, v7  }
0x89: {  	s17 =	sadd.s32 $0xFFFFFFFF, s4;
	s14 =	sadd.s32 s6, s19;
	s2 =	sadd.s32 $0x2040, s2;
	v2 =	vld.idx.msk [tilespmem:v0+s18+$0x0 ss:$0x1], $0xffff;
	[tilespmem:s22+$0x0 ss:$0x81] =	vst.msk $0xffff, v8  }
0x8a: {  	p1 =	por $0x1, $0x1;
	s4 =	smov.u32 s5;
	v3 =	vld.idx.msk [tilespmem:v0+s18+$0x10 ss:$0x1], $0xffff;
	s22 =	sadd.s32 $0x2040, s1;
	[tilespmem:s7+$0x0 ss:$0x81] =	vst.msk $0xffff, v6  }
0x8b: {  	v4 =	vld.idx.msk [tilespmem:v0+s18+$0x20 ss:$0x1], $0xffff;
	s18 =	simm.s32 $0x80;
	s1 =	smov.u32 s19;
	s3 =	sadd.s32 s6, s22;
	[tilespmem:s14+$0x0 ss:$0x81] =	vst.msk $0xffff, v5  }
.LBB1_9:
0x8c: {  	s14 =	sand.u32 $0x1C0, s18;
	p2 =	sne.s32 s17, $0x1;
	s17 =	sadd.s32 $0xFFFFFFFF, s17  }
.Ltmp8:
0x8d: {  	s7 =	sadd.s32 s6, s2;
	s4 =	sadd.s32 $0x2040, s4;
	[tilespmem:s3+$0x0 ss:$0x81] =	vst.msk $0xffff, v1;
	v1 =	vld.idx.msk [tilespmem:v0+s14+$0x30 ss:$0x1], $0xffff;
	(pc) =	sbr.rel @p2 .LBB1_9-.Ltmp8, $4  }
0x8e: {  	s1 =	sadd.s32 $0x2040, s1;
	s3 =	sadd.s32 s6, s4;
	[tilespmem:s7+$0x0 ss:$0x81] =	vst.msk $0xffff, v2;
	v2 =	vld.idx.msk [tilespmem:v0+s14+$0x0 ss:$0x1], $0xffff  }
0x8f: {  	[tilespmem:s3+$0x0 ss:$0x81] =	vst.msk $0xffff, v3;
	v3 =	vld.idx.msk [tilespmem:v0+s14+$0x10 ss:$0x1], $0xffff;
	s3 =	sadd.s32 s6, s1  }
0x90: {  	s22 =	sadd.s32 $0x2040, s22;
	[tilespmem:s3+$0x0 ss:$0x81] =	vst.msk $0xffff, v4;
	v4 =	vld.idx.msk [tilespmem:v0+s14+$0x20 ss:$0x1], $0xffff  }
0x91: {  	s18 =	sadd.s32 $0x40, s18;
	s2 =	sadd.s32 $0x2040, s2;
	s3 =	sadd.s32 s6, s22  }
0x92: {  	_ =	sdelay $0x2  }
0x93: {  	v7 =	vmovc v1;
	v8 =	vmov v2;
	v6 =	vmov v3;
	v5 =	vmov v4  }
.LBB1_11:
0x94: {  	s4 =	sadd.s32 @p1 $0x2040, s4;
	s1 =	sadd.s32 @p1 $0x2040, s1;
	s0 =	sadd.s32 $0x1, s0  }
0x95: {  	s5 =	smov.u32 @p1 s4;
	s19 =	smov.u32 @p1 s1;
	p1 =	sne.s32 s0, s21  }
.Ltmp9:
0x96: {  	_ = 	snop;
	(pc) =	sbr.rel @p1 .LBB1_5-.Ltmp9, $4  }
.Ltmp10:
0x97: {  	s2 =	sadd.s32 s6, s2;
	[tilespmem:s3+$0x0 ss:$0x81] =	vst.msk $0xffff, v7;
	(pc) =	sbr.rel @!p1 .LBB1_12-.Ltmp10, $4  }
0x98: {  	[tilespmem:s2+$0x0 ss:$0x81] =	vst.msk $0xffff, v8;
	s22 =	sadd.s32 s6, s5  }
0x99: {  	s31 =	sadd.s32 $0x1, s31;
	s1 =	sadd.s32 s6, s19;
	[tilespmem:s22+$0x0 ss:$0x81] =	vst.msk $0xffff, v6  }
0x9a: {  	s30 =	sadd.s32 $0x8, s30;
	s28 =	sadd.s32 $0x8, s28;
	s29 =	sadd.s32 $0x8, s29;
	[tilespmem:s1+$0x0 ss:$0x81] =	vst.msk $0xffff, v5  }
0x9b: {  	_ = 	snop  }
.LBB1_6:
.Ltmp11:
0x9c: {  	(pc) =	sbr.rel .LBB1_11-.Ltmp11, $2  }
0x9d: {  	_ =	sdelay $0x2  }
0x9e: {  	s4 =	smov.u32 s5;
	s1 =	smov.u32 s19  }
.LBB1_8:
.Ltmp12:
0x9f: {  	_ = 	snop;
	(pc) =	sbr.rel .LBB1_11-.Ltmp12, $2  }
0xa0: {  	_ =	sdelay $0x2  }
0xa1: {  	s4 =	smov.u32 s5;
	s1 =	smov.u32 s19;
	v7 =	vmovc v1;
	v8 =	vmov v2;
	v6 =	vmov v3;
	v5 =	vmov v4  }
.LBB1_15:
0xa2: {  	_ =	sfence.sel $0x180000  }
0xa3: {  	s0 =	simm.s32 $0x1;
	[bflag:$0x0] =	sbarrier.arrive $0xFFFF  }
0xa4: {  	s30 =	simm.s32 $0x2;
	[sflag:s0] =	ssyncpa.u1 $0x1  }
0xa5: {  	[sflag:s30] =	ssyncpa.u1 $0x1  }
0xa6: {  	_ =	strace $0x90000047  }
0xa7: {  	s31 =	stileid.u32;
	[bflag:$0x2] =	sbarrier.arrive $0xFFFF  }
0xa8: {  	p0 =	sne.s32 s31, $0x0;
	s0 =	rddreg [dreg:$0x2]  }
0xa9: {  	s0 =	sadd.s32 @!p0 $0x100000, s0  }
0xaa: {  	[sflag:s0] =	ssyncadd.tile.s32 @!p0 $0x1;
	_ =	shalt  }
.Lfunc_end1:
_tile_overlayer_lowered:
.L_overlay_start_2:
0xab: {  	(tag) =	ssettag $0x2  }
0xac: {  	s0 =	rddreg [dreg:$0x0];
	s2 =	stileid.u32  }
0xad: {  	s1 =	rddreg [dreg:$0x1];
	p0 =	sne.s32 s2, $0x0  }
0xae: {  	s3 =	rddreg [dreg:$0x2];
	[bflag:$0x3] =	sbarrier.arrive $0xFFFF;
	s2 =	simm.s32 @!p0 $0x1C01  }
0xaf: {  	[timem:s3], [sflag:s2] =	dma.local @!p0 [hbm:s0], s1  }
0xb0: {  	s0 =	simm.s32 @!p0 $0x1  }
0xb1: {  	_ =	swait.ge @!p0 [sflag:s0], s1  }
0xb2: {  	s1 =	ssub.s32 @!p0 $0x0, s1;
	[sflag:s0] =	ssyncset.done @!p0 $0x0  }
0xb3: {  	[sflag:s0] =	ssyncadd.s32 @!p0 s1  }
0xb4: {  	[bflag:$0x3] =	sbarrier.arrive $0xFFFF  }
0xb5: {  	_ =	shalt  }

</sc_bundles>
